<compile_context>
chip_gen: v7x
topology: tpu7x:2x2x1
jax: 0.10.2.dev20260603
libtpu: 0.0.44.dev20260713+nightly
codegen_flags: <defaults>
</compile_context>

<pallas_src>
import functools

import jax
import jax.numpy as jnp
from jax import lax
from jax.experimental import pallas as pl
from jax.experimental.pallas import tpu as pltpu
from jax.experimental.pallas import tpu_sc as plsc

_L = 16


def _sc_body(t_hbm, x_hbm, out_hbm, x_v, t_v, o_v, sem_x, st0, st1, so0, so1):
    max_t, d = t_hbm.shape
    nc = 2
    wid = lax.axis_index("s") * nc + lax.axis_index("c")
    xr = x_hbm.shape[0] // (nc * 16)
    base = wid * xr
    sem_t = (st0, st1)
    sem_o = (so0, so1)

    pltpu.async_copy(t_hbm.at[0], t_v.at[0], sem_t[0])
    pltpu.async_copy(t_hbm.at[1], t_v.at[1], sem_t[1])
    x_cp = pltpu.make_async_copy(x_hbm.at[pl.ds(base, xr)], x_v, sem_x)
    x_cp.start()
    x_cp.wait()

    def pair(i, carry):
        for b in range(2):
            t = i * 2 + b
            pltpu.make_async_copy(t_hbm.at[t], t_v.at[b], sem_t[b]).wait()
            @pl.when(i > 0)
            def _():
                pltpu.make_async_copy(
                    o_v.at[b], out_hbm.at[t - 2, pl.ds(base, xr)], sem_o[b]
                ).wait()

            def per_c(c, carry2):
                tc = t_v[b, pl.ds(c * _L, _L)]
                for r in range(xr):
                    o_v[b, r, pl.ds(c * _L, _L)] = x_v[r, pl.ds(c * _L, _L)] + tc
                return carry2

            lax.fori_loop(0, d // _L, per_c, 0)
            pltpu.async_copy(o_v.at[b], out_hbm.at[t, pl.ds(base, xr)], sem_o[b])

            @pl.when(t + 2 < max_t)
            def _():
                pltpu.async_copy(t_hbm.at[t + 2], t_v.at[b], sem_t[b])

        return carry

    lax.fori_loop(0, max_t // 2, pair, 0)
    for b in range(2):
        pltpu.make_async_copy(
            o_v.at[b], out_hbm.at[max_t - 2 + b, pl.ds(base, xr)], sem_o[b]
        ).wait()


def kernel(T, n_x, t_embed, x_embed):
    max_t, d = t_embed.shape
    max_x = x_embed.shape[0]
    xr = max_x // 32
    mesh = plsc.VectorSubcoreMesh(core_axis_name="c", subcore_axis_name="s")
    sc = functools.partial(
        pl.kernel,
        mesh=mesh,
        out_type=jax.ShapeDtypeStruct((max_t, max_x, d), jnp.float32),
        scratch_types=[
            pltpu.VMEM((xr, d), jnp.float32),
            pltpu.VMEM((2, d), jnp.float32),
            pltpu.VMEM((2, xr, d), jnp.float32),
            pltpu.SemaphoreType.DMA,
            pltpu.SemaphoreType.DMA,
            pltpu.SemaphoreType.DMA,
            pltpu.SemaphoreType.DMA,
            pltpu.SemaphoreType.DMA,
        ],
    )(_sc_body)
    return sc(t_embed, x_embed)

# --- scband reference (transcript-rebuilt; emitter-appended) ---
"""Pipeline reference for scband-positional-encoding1-d-41953240547725 (READ-ONLY COPY).

The authoritative reference and input builder live on the scoring server;
editing this copy changes nothing except your own understanding.
"""

import jax, jax.numpy as jnp
import numpy as np

HIDDEN_DIM = 2048
MAX_T = 64
MAX_X = 512

def setup_inputs(seed: int = 0) -> dict:
    key = jax.random.key(seed)
    k1, k2 = jax.random.split(key)
    t_embed = jax.random.normal(k1, (MAX_T, HIDDEN_DIM), dtype=jnp.float32) * 0.02
    x_embed = jax.random.normal(k2, (MAX_X, HIDDEN_DIM), dtype=jnp.float32) * 0.02
    return {"T": 64, "n_x": 512, "t_embed": t_embed, "x_embed": x_embed}

def reference(T, n_x, t_embed, x_embed):
    # pos(t, x) = Embed_t(t) + Embed_x(x)
    t_ids = jnp.mod(jnp.arange(t_embed.shape[0]), T)
    x_ids = jnp.mod(jnp.arange(x_embed.shape[0]), n_x)
    t_enc = jnp.take(t_embed, t_ids, axis=0)[:, None, :]   # [T, 1, D]
    x_enc = jnp.take(x_embed, x_ids, axis=0)[None, :, :]   # [1, n_x, D]
    pos = t_enc + x_enc                                     # [T, n_x, D]
    return pos

if __name__ == "__main__":
    import jax
    _d = setup_inputs()
    print(jax.jit(kernel)(*tuple(_d.values())))

</pallas_src>

<mosaic_0001>
#map = affine_map<(d0, d1) -> (0, 0)>
#map1 = affine_map<(d0, d1) -> (0, 0, 0)>
module attributes {stable_mosaic.version = 14 : i64} {
  func.func @_sc_body(%arg0: i32, %arg1: i32, %arg2: memref<64x2048xf32, #tpu.memory_space<hbm>>, %arg3: memref<512x2048xf32, #tpu.memory_space<hbm>>, %arg4: memref<64x512x2048xf32, #tpu.memory_space<hbm>>, %arg5: memref<16x2048xf32, #tpu.memory_space<vmem>>, %arg6: memref<2x2048xf32, #tpu.memory_space<vmem>>, %arg7: memref<2x16x2048xf32, #tpu.memory_space<vmem>>, %arg8: memref<!tpu.dma_semaphore, #tpu.memory_space<semaphore_mem>>, %arg9: memref<!tpu.dma_semaphore, #tpu.memory_space<semaphore_mem>>, %arg10: memref<!tpu.dma_semaphore, #tpu.memory_space<semaphore_mem>>, %arg11: memref<!tpu.dma_semaphore, #tpu.memory_space<semaphore_mem>>, %arg12: memref<!tpu.dma_semaphore, #tpu.memory_space<semaphore_mem>>) attributes {dimension_semantics = [#tpu.dimension_semantics<core_parallel>, #tpu.dimension_semantics<subcore_parallel>], iteration_bounds = array<i64: 2, 16>, scalar_prefetch = 0 : i64, scratch_operands = 8 : i64, tpu.core_type = #tpu.core_type<sc_vector_subcore>, window_params = [{transform_indices = #map}, {transform_indices = #map}, {transform_indices = #map1}]} {
    %mul3A = arith.constant 2 : i32
    %mul3A_0 = arith.muli %arg1, %mul3A : i32
    %add3A = arith.addi %mul3A_0, %arg0 : i32
    %mul3A_1 = arith.constant 16 : i32
    %mul3A_2 = arith.muli %add3A, %mul3A_1 : i32
    %dma_start3A = arith.constant 0 : i32
    %dma_start3A_3 = arith.constant 0 : i32
    %dma_start3A_4 = arith.constant 0 : i32
    %dma_start3A_5 = tpu.memref_slice %arg6[%dma_start3A_3, %dma_start3A_4] : memref<2x2048xf32, #tpu.memory_space<vmem>> -> memref<1x2048xf32, #tpu.memory_space<vmem>>
    %dma_start3A_6 = tpu.memref_squeeze %dma_start3A_5 : memref<1x2048xf32, #tpu.memory_space<vmem>> -> memref<2048xf32, #tpu.memory_space<vmem>>
    %dma_start3A_7 = arith.constant 0 : i32
    %dma_start3A_8 = tpu.memref_slice %arg2[%dma_start3A, %dma_start3A_7] : memref<64x2048xf32, #tpu.memory_space<hbm>> -> memref<1x2048xf32, #tpu.memory_space<hbm>>
    %dma_start3A_9 = tpu.memref_squeeze %dma_start3A_8 : memref<1x2048xf32, #tpu.memory_space<hbm>> -> memref<2048xf32, #tpu.memory_space<hbm>>
    %dma_start3A_10 = arith.constant 0 : i32
    %dma_start3A_11 = tpu.memref_slice %arg6[%dma_start3A_3, %dma_start3A_10] : memref<2x2048xf32, #tpu.memory_space<vmem>> -> memref<1x2048xf32, #tpu.memory_space<vmem>>
    %dma_start3A_12 = tpu.memref_squeeze %dma_start3A_11 : memref<1x2048xf32, #tpu.memory_space<vmem>> -> memref<2048xf32, #tpu.memory_space<vmem>>
    %dma_start3A_13 = arith.constant 0 : i32
    %dma_start3A_14 = tpu.memref_slice %arg2[%dma_start3A, %dma_start3A_13] : memref<64x2048xf32, #tpu.memory_space<hbm>> -> memref<1x2048xf32, #tpu.memory_space<hbm>>
    %dma_start3A_15 = tpu.memref_squeeze %dma_start3A_14 : memref<1x2048xf32, #tpu.memory_space<hbm>> -> memref<2048xf32, #tpu.memory_space<hbm>>
    tpu.enqueue_dma source(%dma_start3A_15 : memref<2048xf32, #tpu.memory_space<hbm>>) target(%dma_start3A_12 : memref<2048xf32, #tpu.memory_space<vmem>>) target_semaphore(%arg9 : memref<!tpu.dma_semaphore, #tpu.memory_space<semaphore_mem>>)
    %dma_start3A_16 = arith.constant 1 : i32
    %dma_start3A_17 = arith.constant 1 : i32
    %dma_start3A_18 = arith.constant 0 : i32
    %dma_start3A_19 = tpu.memref_slice %arg6[%dma_start3A_17, %dma_start3A_18] : memref<2x2048xf32, #tpu.memory_space<vmem>> -> memref<1x2048xf32, #tpu.memory_space<vmem>>
    %dma_start3A_20 = tpu.memref_squeeze %dma_start3A_19 : memref<1x2048xf32, #tpu.memory_space<vmem>> -> memref<2048xf32, #tpu.memory_space<vmem>>
    %dma_start3A_21 = arith.constant 0 : i32
    %dma_start3A_22 = tpu.memref_slice %arg2[%dma_start3A_16, %dma_start3A_21] : memref<64x2048xf32, #tpu.memory_space<hbm>> -> memref<1x2048xf32, #tpu.memory_space<hbm>>
    %dma_start3A_23 = tpu.memref_squeeze %dma_start3A_22 : memref<1x2048xf32, #tpu.memory_space<hbm>> -> memref<2048xf32, #tpu.memory_space<hbm>>
    %dma_start3A_24 = arith.constant 0 : i32
    %dma_start3A_25 = tpu.memref_slice %arg6[%dma_start3A_17, %dma_start3A_24] : memref<2x2048xf32, #tpu.memory_space<vmem>> -> memref<1x2048xf32, #tpu.memory_space<vmem>>
    %dma_start3A_26 = tpu.memref_squeeze %dma_start3A_25 : memref<1x2048xf32, #tpu.memory_space<vmem>> -> memref<2048xf32, #tpu.memory_space<vmem>>
    %dma_start3A_27 = arith.constant 0 : i32
    %dma_start3A_28 = tpu.memref_slice %arg2[%dma_start3A_16, %dma_start3A_27] : memref<64x2048xf32, #tpu.memory_space<hbm>> -> memref<1x2048xf32, #tpu.memory_space<hbm>>
    %dma_start3A_29 = tpu.memref_squeeze %dma_start3A_28 : memref<1x2048xf32, #tpu.memory_space<hbm>> -> memref<2048xf32, #tpu.memory_space<hbm>>
    tpu.enqueue_dma source(%dma_start3A_29 : memref<2048xf32, #tpu.memory_space<hbm>>) target(%dma_start3A_26 : memref<2048xf32, #tpu.memory_space<vmem>>) target_semaphore(%arg10 : memref<!tpu.dma_semaphore, #tpu.memory_space<semaphore_mem>>)
    %dma_start3A_30 = arith.constant 0 : i32
    %dma_start3A_31 = tpu.memref_slice %arg3[%mul3A_2, %dma_start3A_30] : memref<512x2048xf32, #tpu.memory_space<hbm>> -> memref<16x2048xf32, #tpu.memory_space<hbm>>
    %dma_start3A_32 = arith.constant 0 : i32
    %dma_start3A_33 = tpu.memref_slice %arg3[%mul3A_2, %dma_start3A_32] : memref<512x2048xf32, #tpu.memory_space<hbm>> -> memref<16x2048xf32, #tpu.memory_space<hbm>>
    tpu.enqueue_dma source(%dma_start3A_33 : memref<16x2048xf32, #tpu.memory_space<hbm>>) target(%arg5 : memref<16x2048xf32, #tpu.memory_space<vmem>>) target_semaphore(%arg8 : memref<!tpu.dma_semaphore, #tpu.memory_space<semaphore_mem>>)
    %dma_wait3A = arith.constant 0 : i32
    %dma_wait3A_34 = tpu.memref_slice %arg3[%mul3A_2, %dma_wait3A] : memref<512x2048xf32, #tpu.memory_space<hbm>> -> memref<16x2048xf32, #tpu.memory_space<hbm>>
    %dma_wait3A_35 = arith.constant 0 : i32
    %dma_wait3A_36 = tpu.memref_slice %arg3[%mul3A_2, %dma_wait3A_35] : memref<512x2048xf32, #tpu.memory_space<hbm>> -> memref<16x2048xf32, #tpu.memory_space<hbm>>
    tpu.wait_dma2 semaphore(%arg8 : memref<!tpu.dma_semaphore, #tpu.memory_space<semaphore_mem>>) src(%dma_wait3A_36 : memref<16x2048xf32, #tpu.memory_space<hbm>>) dst(%arg5 : memref<16x2048xf32, #tpu.memory_space<vmem>>)
    %scan3A = arith.constant 0 : i32
    %scan3A_37 = arith.constant 0 : i32
    %scan3A_38 = arith.constant 32 : i32
    %scan3A_39 = arith.addi %scan3A_37, %scan3A_38 : i32
    %scan3A_40 = arith.constant 1 : i32
    scf.for %scan3A_74 = %scan3A_37 to %scan3A_39 step %scan3A_40  : i32 {
      %mul3A_75 = arith.constant 2 : i32
      %mul3A_76 = arith.muli %scan3A_74, %mul3A_75 : i32
      %add3A_77 = arith.constant 0 : i32
      %add3A_78 = arith.addi %mul3A_76, %add3A_77 : i32
      %dma_wait3A_79 = arith.constant 0 : i32
      %dma_wait3A_80 = arith.constant 0 : i32
      %dma_wait3A_81 = tpu.memref_slice %arg6[%dma_wait3A_79, %dma_wait3A_80] : memref<2x2048xf32, #tpu.memory_space<vmem>> -> memref<1x2048xf32, #tpu.memory_space<vmem>>
      %dma_wait3A_82 = tpu.memref_squeeze %dma_wait3A_81 : memref<1x2048xf32, #tpu.memory_space<vmem>> -> memref<2048xf32, #tpu.memory_space<vmem>>
      %dma_wait3A_83 = arith.constant 0 : i32
      %dma_wait3A_84 = tpu.memref_slice %arg2[%add3A_78, %dma_wait3A_83] : memref<64x2048xf32, #tpu.memory_space<hbm>> -> memref<1x2048xf32, #tpu.memory_space<hbm>>
      %dma_wait3A_85 = tpu.memref_squeeze %dma_wait3A_84 : memref<1x2048xf32, #tpu.memory_space<hbm>> -> memref<2048xf32, #tpu.memory_space<hbm>>
      %dma_wait3A_86 = arith.constant 0 : i32
      %dma_wait3A_87 = tpu.memref_slice %arg6[%dma_wait3A_79, %dma_wait3A_86] : memref<2x2048xf32, #tpu.memory_space<vmem>> -> memref<1x2048xf32, #tpu.memory_space<vmem>>
      %dma_wait3A_88 = tpu.memref_squeeze %dma_wait3A_87 : memref<1x2048xf32, #tpu.memory_space<vmem>> -> memref<2048xf32, #tpu.memory_space<vmem>>
      %dma_wait3A_89 = arith.constant 0 : i32
      %dma_wait3A_90 = tpu.memref_slice %arg2[%add3A_78, %dma_wait3A_89] : memref<64x2048xf32, #tpu.memory_space<hbm>> -> memref<1x2048xf32, #tpu.memory_space<hbm>>
      %dma_wait3A_91 = tpu.memref_squeeze %dma_wait3A_90 : memref<1x2048xf32, #tpu.memory_space<hbm>> -> memref<2048xf32, #tpu.memory_space<hbm>>
      tpu.wait_dma2 semaphore(%arg9 : memref<!tpu.dma_semaphore, #tpu.memory_space<semaphore_mem>>) src(%dma_wait3A_91 : memref<2048xf32, #tpu.memory_space<hbm>>) dst(%dma_wait3A_88 : memref<2048xf32, #tpu.memory_space<vmem>>)
      %gt3A = arith.constant 0 : i32
      %gt3A_92 = arith.cmpi sgt, %scan3A_74, %gt3A : i32
      %convert_element_type3A = arith.extui %gt3A_92 : i1 to i32
      %cond3A = arith.constant 0 : i32
      %cond3A_93 = arith.cmpi ne, %convert_element_type3A, %cond3A : i32
      scf.if %cond3A_93 {
        %sub3A = arith.constant 2 : i32
        %sub3A_171 = arith.subi %add3A_78, %sub3A : i32
        %dma_wait3A_172 = arith.constant 0 : i32
        %dma_wait3A_173 = arith.constant 0 : i32
        %dma_wait3A_174 = arith.constant 0 : i32
        %dma_wait3A_175 = tpu.memref_slice %arg7[%dma_wait3A_172, %dma_wait3A_173, %dma_wait3A_174] : memref<2x16x2048xf32, #tpu.memory_space<vmem>> -> memref<1x16x2048xf32, #tpu.memory_space<vmem>>
        %dma_wait3A_176 = tpu.memref_squeeze %dma_wait3A_175 : memref<1x16x2048xf32, #tpu.memory_space<vmem>> -> memref<16x2048xf32, #tpu.memory_space<vmem>>
        %dma_wait3A_177 = arith.constant 0 : i32
        %dma_wait3A_178 = tpu.memref_slice %arg4[%sub3A_171, %mul3A_2, %dma_wait3A_177] : memref<64x512x2048xf32, #tpu.memory_space<hbm>> -> memref<1x16x2048xf32, #tpu.memory_space<hbm>>
        %dma_wait3A_179 = tpu.memref_squeeze %dma_wait3A_178 : memref<1x16x2048xf32, #tpu.memory_space<hbm>> -> memref<16x2048xf32, #tpu.memory_space<hbm>>
        %dma_wait3A_180 = arith.constant 0 : i32
        %dma_wait3A_181 = tpu.memref_slice %arg4[%sub3A_171, %mul3A_2, %dma_wait3A_180] : memref<64x512x2048xf32, #tpu.memory_space<hbm>> -> memref<1x16x2048xf32, #tpu.memory_space<hbm>>
        %dma_wait3A_182 = tpu.memref_squeeze %dma_wait3A_181 : memref<1x16x2048xf32, #tpu.memory_space<hbm>> -> memref<16x2048xf32, #tpu.memory_space<hbm>>
        %dma_wait3A_183 = arith.constant 0 : i32
        %dma_wait3A_184 = arith.constant 0 : i32
        %dma_wait3A_185 = tpu.memref_slice %arg7[%dma_wait3A_172, %dma_wait3A_183, %dma_wait3A_184] : memref<2x16x2048xf32, #tpu.memory_space<vmem>> -> memref<1x16x2048xf32, #tpu.memory_space<vmem>>
        %dma_wait3A_186 = tpu.memref_squeeze %dma_wait3A_185 : memref<1x16x2048xf32, #tpu.memory_space<vmem>> -> memref<16x2048xf32, #tpu.memory_space<vmem>>
        tpu.wait_dma2 semaphore(%arg11 : memref<!tpu.dma_semaphore, #tpu.memory_space<semaphore_mem>>) src(%dma_wait3A_186 : memref<16x2048xf32, #tpu.memory_space<vmem>>) dst(%dma_wait3A_182 : memref<16x2048xf32, #tpu.memory_space<hbm>>)
      } else {
      }
      %scan3A_94 = arith.constant 0 : i32
      %scan3A_95 = arith.constant 0 : i32
      %scan3A_96 = arith.constant 128 : i32
      %scan3A_97 = arith.addi %scan3A_95, %scan3A_96 : i32
      %scan3A_98 = arith.constant 1 : i32
      scf.for %scan3A_171 = %scan3A_95 to %scan3A_97 step %scan3A_98  : i32 {
        %mul3A_172 = arith.constant 16 : i32
        %mul3A_173 = arith.muli %scan3A_171, %mul3A_172 : i32
        %get3A = arith.constant 0 : i32
        %get3A_174 = arith.index_cast %get3A : i32 to index
        %get3A_175 = arith.index_cast %mul3A_173 : i32 to index
        %get3A_176 = tpu.vector_load %arg6[%get3A_174, %get3A_175] {strides = array<i32>} : memref<2x2048xf32, #tpu.memory_space<vmem>>, vector<1x16xf32>,
        %get3A_177 = vector.shape_cast %get3A_176 : vector<1x16xf32> to vector<16xf32>
        %mul3A_178 = arith.constant 16 : i32
        %mul3A_179 = arith.muli %scan3A_171, %mul3A_178 : i32
        %get3A_180 = arith.constant 0 : i32
        %get3A_181 = arith.index_cast %get3A_180 : i32 to index
        %get3A_182 = arith.index_cast %mul3A_179 : i32 to index
        %get3A_183 = tpu.vector_load %arg5[%get3A_181, %get3A_182] {strides = array<i32>} : memref<16x2048xf32, #tpu.memory_space<vmem>>, vector<1x16xf32>,
        %get3A_184 = vector.shape_cast %get3A_183 : vector<1x16xf32> to vector<16xf32>
        %add3A_185 = arith.addf %get3A_184, %get3A_177 : vector<16xf32>
        %mul3A_186 = arith.constant 16 : i32
        %mul3A_187 = arith.muli %scan3A_171, %mul3A_186 : i32
        %swap3A = arith.constant 0 : i32
        %swap3A_188 = arith.constant 0 : i32
        %swap3A_189 = arith.index_cast %swap3A : i32 to index
        %swap3A_190 = arith.index_cast %swap3A_188 : i32 to index
        %swap3A_191 = arith.index_cast %mul3A_187 : i32 to index
        %swap3A_192 = tpu.vector_load %arg7[%swap3A_189, %swap3A_190, %swap3A_191] {strides = array<i32>} : memref<2x16x2048xf32, #tpu.memory_space<vmem>>, vector<1x1x16xf32>,
        %swap3A_193 = vector.shape_cast %swap3A_192 : vector<1x1x16xf32> to vector<16xf32>
        %swap3A_194 = vector.shape_cast %add3A_185 : vector<16xf32> to vector<1x1x16xf32>
        tpu.vector_store %arg7[%swap3A_189, %swap3A_190, %swap3A_191], %swap3A_194 {strides = array<i32>} : memref<2x16x2048xf32, #tpu.memory_space<vmem>>, vector<1x1x16xf32>,
        %mul3A_195 = arith.constant 16 : i32
        %mul3A_196 = arith.muli %scan3A_171, %mul3A_195 : i32
        %get3A_197 = arith.constant 1 : i32
        %get3A_198 = arith.index_cast %get3A_197 : i32 to index
        %get3A_199 = arith.index_cast %mul3A_196 : i32 to index
        %get3A_200 = tpu.vector_load %arg5[%get3A_198, %get3A_199] {strides = array<i32>} : memref<16x2048xf32, #tpu.memory_space<vmem>>, vector<1x16xf32>,
        %get3A_201 = vector.shape_cast %get3A_200 : vector<1x16xf32> to vector<16xf32>
        %add3A_202 = arith.addf %get3A_201, %get3A_177 : vector<16xf32>
        %mul3A_203 = arith.constant 16 : i32
        %mul3A_204 = arith.muli %scan3A_171, %mul3A_203 : i32
        %swap3A_205 = arith.constant 0 : i32
        %swap3A_206 = arith.constant 1 : i32
        %swap3A_207 = arith.index_cast %swap3A_205 : i32 to index
        %swap3A_208 = arith.index_cast %swap3A_206 : i32 to index
        %swap3A_209 = arith.index_cast %mul3A_204 : i32 to index
        %swap3A_210 = tpu.vector_load %arg7[%swap3A_207, %swap3A_208, %swap3A_209] {strides = array<i32>} : memref<2x16x2048xf32, #tpu.memory_space<vmem>>, vector<1x1x16xf32>,
        %swap3A_211 = vector.shape_cast %swap3A_210 : vector<1x1x16xf32> to vector<16xf32>
        %swap3A_212 = vector.shape_cast %add3A_202 : vector<16xf32> to vector<1x1x16xf32>
        tpu.vector_store %arg7[%swap3A_207, %swap3A_208, %swap3A_209], %swap3A_212 {strides = array<i32>} : memref<2x16x2048xf32, #tpu.memory_space<vmem>>, vector<1x1x16xf32>,
        %mul3A_213 = arith.constant 16 : i32
        %mul3A_214 = arith.muli %scan3A_171, %mul3A_213 : i32
        %get3A_215 = arith.constant 2 : i32
        %get3A_216 = arith.index_cast %get3A_215 : i32 to index
        %get3A_217 = arith.index_cast %mul3A_214 : i32 to index
        %get3A_218 = tpu.vector_load %arg5[%get3A_216, %get3A_217] {strides = array<i32>} : memref<16x2048xf32, #tpu.memory_space<vmem>>, vector<1x16xf32>,
        %get3A_219 = vector.shape_cast %get3A_218 : vector<1x16xf32> to vector<16xf32>
        %add3A_220 = arith.addf %get3A_219, %get3A_177 : vector<16xf32>
        %mul3A_221 = arith.constant 16 : i32
        %mul3A_222 = arith.muli %scan3A_171, %mul3A_221 : i32
        %swap3A_223 = arith.constant 0 : i32
        %swap3A_224 = arith.constant 2 : i32
        %swap3A_225 = arith.index_cast %swap3A_223 : i32 to index
        %swap3A_226 = arith.index_cast %swap3A_224 : i32 to index
        %swap3A_227 = arith.index_cast %mul3A_222 : i32 to index
        %swap3A_228 = tpu.vector_load %arg7[%swap3A_225, %swap3A_226, %swap3A_227] {strides = array<i32>} : memref<2x16x2048xf32, #tpu.memory_space<vmem>>, vector<1x1x16xf32>,
        %swap3A_229 = vector.shape_cast %swap3A_228 : vector<1x1x16xf32> to vector<16xf32>
        %swap3A_230 = vector.shape_cast %add3A_220 : vector<16xf32> to vector<1x1x16xf32>
        tpu.vector_store %arg7[%swap3A_225, %swap3A_226, %swap3A_227], %swap3A_230 {strides = array<i32>} : memref<2x16x2048xf32, #tpu.memory_space<vmem>>, vector<1x1x16xf32>,
        %mul3A_231 = arith.constant 16 : i32
        %mul3A_232 = arith.muli %scan3A_171, %mul3A_231 : i32
        %get3A_233 = arith.constant 3 : i32
        %get3A_234 = arith.index_cast %get3A_233 : i32 to index
        %get3A_235 = arith.index_cast %mul3A_232 : i32 to index
        %get3A_236 = tpu.vector_load %arg5[%get3A_234, %get3A_235] {strides = array<i32>} : memref<16x2048xf32, #tpu.memory_space<vmem>>, vector<1x16xf32>,
        %get3A_237 = vector.shape_cast %get3A_236 : vector<1x16xf32> to vector<16xf32>
        %add3A_238 = arith.addf %get3A_237, %get3A_177 : vector<16xf32>
        %mul3A_239 = arith.constant 16 : i32
        %mul3A_240 = arith.muli %scan3A_171, %mul3A_239 : i32
        %swap3A_241 = arith.constant 0 : i32
        %swap3A_242 = arith.constant 3 : i32
        %swap3A_243 = arith.index_cast %swap3A_241 : i32 to index
        %swap3A_244 = arith.index_cast %swap3A_242 : i32 to index
        %swap3A_245 = arith.index_cast %mul3A_240 : i32 to index
        %swap3A_246 = tpu.vector_load %arg7[%swap3A_243, %swap3A_244, %swap3A_245] {strides = array<i32>} : memref<2x16x2048xf32, #tpu.memory_space<vmem>>, vector<1x1x16xf32>,
        %swap3A_247 = vector.shape_cast %swap3A_246 : vector<1x1x16xf32> to vector<16xf32>
        %swap3A_248 = vector.shape_cast %add3A_238 : vector<16xf32> to vector<1x1x16xf32>
        tpu.vector_store %arg7[%swap3A_243, %swap3A_244, %swap3A_245], %swap3A_248 {strides = array<i32>} : memref<2x16x2048xf32, #tpu.memory_space<vmem>>, vector<1x1x16xf32>,
        %mul3A_249 = arith.constant 16 : i32
        %mul3A_250 = arith.muli %scan3A_171, %mul3A_249 : i32
        %get3A_251 = arith.constant 4 : i32
        %get3A_252 = arith.index_cast %get3A_251 : i32 to index
        %get3A_253 = arith.index_cast %mul3A_250 : i32 to index
        %get3A_254 = tpu.vector_load %arg5[%get3A_252, %get3A_253] {strides = array<i32>} : memref<16x2048xf32, #tpu.memory_space<vmem>>, vector<1x16xf32>,
        %get3A_255 = vector.shape_cast %get3A_254 : vector<1x16xf32> to vector<16xf32>
        %add3A_256 = arith.addf %get3A_255, %get3A_177 : vector<16xf32>
        %mul3A_257 = arith.constant 16 : i32
        %mul3A_258 = arith.muli %scan3A_171, %mul3A_257 : i32
        %swap3A_259 = arith.constant 0 : i32
        %swap3A_260 = arith.constant 4 : i32
        %swap3A_261 = arith.index_cast %swap3A_259 : i32 to index
        %swap3A_262 = arith.index_cast %swap3A_260 : i32 to index
        %swap3A_263 = arith.index_cast %mul3A_258 : i32 to index
        %swap3A_264 = tpu.vector_load %arg7[%swap3A_261, %swap3A_262, %swap3A_263] {strides = array<i32>} : memref<2x16x2048xf32, #tpu.memory_space<vmem>>, vector<1x1x16xf32>,
        %swap3A_265 = vector.shape_cast %swap3A_264 : vector<1x1x16xf32> to vector<16xf32>
        %swap3A_266 = vector.shape_cast %add3A_256 : vector<16xf32> to vector<1x1x16xf32>
        tpu.vector_store %arg7[%swap3A_261, %swap3A_262, %swap3A_263], %swap3A_266 {strides = array<i32>} : memref<2x16x2048xf32, #tpu.memory_space<vmem>>, vector<1x1x16xf32>,
        %mul3A_267 = arith.constant 16 : i32
        %mul3A_268 = arith.muli %scan3A_171, %mul3A_267 : i32
        %get3A_269 = arith.constant 5 : i32
        %get3A_270 = arith.index_cast %get3A_269 : i32 to index
        %get3A_271 = arith.index_cast %mul3A_268 : i32 to index
        %get3A_272 = tpu.vector_load %arg5[%get3A_270, %get3A_271] {strides = array<i32>} : memref<16x2048xf32, #tpu.memory_space<vmem>>, vector<1x16xf32>,
        %get3A_273 = vector.shape_cast %get3A_272 : vector<1x16xf32> to vector<16xf32>
        %add3A_274 = arith.addf %get3A_273, %get3A_177 : vector<16xf32>
        %mul3A_275 = arith.constant 16 : i32
        %mul3A_276 = arith.muli %scan3A_171, %mul3A_275 : i32
        %swap3A_277 = arith.constant 0 : i32
        %swap3A_278 = arith.constant 5 : i32
        %swap3A_279 = arith.index_cast %swap3A_277 : i32 to index
        %swap3A_280 = arith.index_cast %swap3A_278 : i32 to index
        %swap3A_281 = arith.index_cast %mul3A_276 : i32 to index
        %swap3A_282 = tpu.vector_load %arg7[%swap3A_279, %swap3A_280, %swap3A_281] {strides = array<i32>} : memref<2x16x2048xf32, #tpu.memory_space<vmem>>, vector<1x1x16xf32>,
        %swap3A_283 = vector.shape_cast %swap3A_282 : vector<1x1x16xf32> to vector<16xf32>
        %swap3A_284 = vector.shape_cast %add3A_274 : vector<16xf32> to vector<1x1x16xf32>
        tpu.vector_store %arg7[%swap3A_279, %swap3A_280, %swap3A_281], %swap3A_284 {strides = array<i32>} : memref<2x16x2048xf32, #tpu.memory_space<vmem>>, vector<1x1x16xf32>,
        %mul3A_285 = arith.constant 16 : i32
        %mul3A_286 = arith.muli %scan3A_171, %mul3A_285 : i32
        %get3A_287 = arith.constant 6 : i32
        %get3A_288 = arith.index_cast %get3A_287 : i32 to index
        %get3A_289 = arith.index_cast %mul3A_286 : i32 to index
        %get3A_290 = tpu.vector_load %arg5[%get3A_288, %get3A_289] {strides = array<i32>} : memref<16x2048xf32, #tpu.memory_space<vmem>>, vector<1x16xf32>,
        %get3A_291 = vector.shape_cast %get3A_290 : vector<1x16xf32> to vector<16xf32>
        %add3A_292 = arith.addf %get3A_291, %get3A_177 : vector<16xf32>
        %mul3A_293 = arith.constant 16 : i32
        %mul3A_294 = arith.muli %scan3A_171, %mul3A_293 : i32
        %swap3A_295 = arith.constant 0 : i32
        %swap3A_296 = arith.constant 6 : i32
        %swap3A_297 = arith.index_cast %swap3A_295 : i32 to index
        %swap3A_298 = arith.index_cast %swap3A_296 : i32 to index
        %swap3A_299 = arith.index_cast %mul3A_294 : i32 to index
        %swap3A_300 = tpu.vector_load %arg7[%swap3A_297, %swap3A_298, %swap3A_299] {strides = array<i32>} : memref<2x16x2048xf32, #tpu.memory_space<vmem>>, vector<1x1x16xf32>,
        %swap3A_301 = vector.shape_cast %swap3A_300 : vector<1x1x16xf32> to vector<16xf32>
        %swap3A_302 = vector.shape_cast %add3A_292 : vector<16xf32> to vector<1x1x16xf32>
        tpu.vector_store %arg7[%swap3A_297, %swap3A_298, %swap3A_299], %swap3A_302 {strides = array<i32>} : memref<2x16x2048xf32, #tpu.memory_space<vmem>>, vector<1x1x16xf32>,
        %mul3A_303 = arith.constant 16 : i32
        %mul3A_304 = arith.muli %scan3A_171, %mul3A_303 : i32
        %get3A_305 = arith.constant 7 : i32
        %get3A_306 = arith.index_cast %get3A_305 : i32 to index
        %get3A_307 = arith.index_cast %mul3A_304 : i32 to index
        %get3A_308 = tpu.vector_load %arg5[%get3A_306, %get3A_307] {strides = array<i32>} : memref<16x2048xf32, #tpu.memory_space<vmem>>, vector<1x16xf32>,
        %get3A_309 = vector.shape_cast %get3A_308 : vector<1x16xf32> to vector<16xf32>
        %add3A_310 = arith.addf %get3A_309, %get3A_177 : vector<16xf32>
        %mul3A_311 = arith.constant 16 : i32
        %mul3A_312 = arith.muli %scan3A_171, %mul3A_311 : i32
        %swap3A_313 = arith.constant 0 : i32
        %swap3A_314 = arith.constant 7 : i32
        %swap3A_315 = arith.index_cast %swap3A_313 : i32 to index
        %swap3A_316 = arith.index_cast %swap3A_314 : i32 to index
        %swap3A_317 = arith.index_cast %mul3A_312 : i32 to index
        %swap3A_318 = tpu.vector_load %arg7[%swap3A_315, %swap3A_316, %swap3A_317] {strides = array<i32>} : memref<2x16x2048xf32, #tpu.memory_space<vmem>>, vector<1x1x16xf32>,
        %swap3A_319 = vector.shape_cast %swap3A_318 : vector<1x1x16xf32> to vector<16xf32>
        %swap3A_320 = vector.shape_cast %add3A_310 : vector<16xf32> to vector<1x1x16xf32>
        tpu.vector_store %arg7[%swap3A_315, %swap3A_316, %swap3A_317], %swap3A_320 {strides = array<i32>} : memref<2x16x2048xf32, #tpu.memory_space<vmem>>, vector<1x1x16xf32>,
        %mul3A_321 = arith.constant 16 : i32
        %mul3A_322 = arith.muli %scan3A_171, %mul3A_321 : i32
        %get3A_323 = arith.constant 8 : i32
        %get3A_324 = arith.index_cast %get3A_323 : i32 to index
        %get3A_325 = arith.index_cast %mul3A_322 : i32 to index
        %get3A_326 = tpu.vector_load %arg5[%get3A_324, %get3A_325] {strides = array<i32>} : memref<16x2048xf32, #tpu.memory_space<vmem>>, vector<1x16xf32>,
        %get3A_327 = vector.shape_cast %get3A_326 : vector<1x16xf32> to vector<16xf32>
        %add3A_328 = arith.addf %get3A_327, %get3A_177 : vector<16xf32>
        %mul3A_329 = arith.constant 16 : i32
        %mul3A_330 = arith.muli %scan3A_171, %mul3A_329 : i32
        %swap3A_331 = arith.constant 0 : i32
        %swap3A_332 = arith.constant 8 : i32
        %swap3A_333 = arith.index_cast %swap3A_331 : i32 to index
        %swap3A_334 = arith.index_cast %swap3A_332 : i32 to index
        %swap3A_335 = arith.index_cast %mul3A_330 : i32 to index
        %swap3A_336 = tpu.vector_load %arg7[%swap3A_333, %swap3A_334, %swap3A_335] {strides = array<i32>} : memref<2x16x2048xf32, #tpu.memory_space<vmem>>, vector<1x1x16xf32>,
        %swap3A_337 = vector.shape_cast %swap3A_336 : vector<1x1x16xf32> to vector<16xf32>
        %swap3A_338 = vector.shape_cast %add3A_328 : vector<16xf32> to vector<1x1x16xf32>
        tpu.vector_store %arg7[%swap3A_333, %swap3A_334, %swap3A_335], %swap3A_338 {strides = array<i32>} : memref<2x16x2048xf32, #tpu.memory_space<vmem>>, vector<1x1x16xf32>,
        %mul3A_339 = arith.constant 16 : i32
        %mul3A_340 = arith.muli %scan3A_171, %mul3A_339 : i32
        %get3A_341 = arith.constant 9 : i32
        %get3A_342 = arith.index_cast %get3A_341 : i32 to index
        %get3A_343 = arith.index_cast %mul3A_340 : i32 to index
        %get3A_344 = tpu.vector_load %arg5[%get3A_342, %get3A_343] {strides = array<i32>} : memref<16x2048xf32, #tpu.memory_space<vmem>>, vector<1x16xf32>,
        %get3A_345 = vector.shape_cast %get3A_344 : vector<1x16xf32> to vector<16xf32>
        %add3A_346 = arith.addf %get3A_345, %get3A_177 : vector<16xf32>
        %mul3A_347 = arith.constant 16 : i32
        %mul3A_348 = arith.muli %scan3A_171, %mul3A_347 : i32
        %swap3A_349 = arith.constant 0 : i32
        %swap3A_350 = arith.constant 9 : i32
        %swap3A_351 = arith.index_cast %swap3A_349 : i32 to index
        %swap3A_352 = arith.index_cast %swap3A_350 : i32 to index
        %swap3A_353 = arith.index_cast %mul3A_348 : i32 to index
        %swap3A_354 = tpu.vector_load %arg7[%swap3A_351, %swap3A_352, %swap3A_353] {strides = array<i32>} : memref<2x16x2048xf32, #tpu.memory_space<vmem>>, vector<1x1x16xf32>,
        %swap3A_355 = vector.shape_cast %swap3A_354 : vector<1x1x16xf32> to vector<16xf32>
        %swap3A_356 = vector.shape_cast %add3A_346 : vector<16xf32> to vector<1x1x16xf32>
        tpu.vector_store %arg7[%swap3A_351, %swap3A_352, %swap3A_353], %swap3A_356 {strides = array<i32>} : memref<2x16x2048xf32, #tpu.memory_space<vmem>>, vector<1x1x16xf32>,
        %mul3A_357 = arith.constant 16 : i32
        %mul3A_358 = arith.muli %scan3A_171, %mul3A_357 : i32
        %get3A_359 = arith.constant 10 : i32
        %get3A_360 = arith.index_cast %get3A_359 : i32 to index
        %get3A_361 = arith.index_cast %mul3A_358 : i32 to index
        %get3A_362 = tpu.vector_load %arg5[%get3A_360, %get3A_361] {strides = array<i32>} : memref<16x2048xf32, #tpu.memory_space<vmem>>, vector<1x16xf32>,
        %get3A_363 = vector.shape_cast %get3A_362 : vector<1x16xf32> to vector<16xf32>
        %add3A_364 = arith.addf %get3A_363, %get3A_177 : vector<16xf32>
        %mul3A_365 = arith.constant 16 : i32
        %mul3A_366 = arith.muli %scan3A_171, %mul3A_365 : i32
        %swap3A_367 = arith.constant 0 : i32
        %swap3A_368 = arith.constant 10 : i32
        %swap3A_369 = arith.index_cast %swap3A_367 : i32 to index
        %swap3A_370 = arith.index_cast %swap3A_368 : i32 to index
        %swap3A_371 = arith.index_cast %mul3A_366 : i32 to index
        %swap3A_372 = tpu.vector_load %arg7[%swap3A_369, %swap3A_370, %swap3A_371] {strides = array<i32>} : memref<2x16x2048xf32, #tpu.memory_space<vmem>>, vector<1x1x16xf32>,
        %swap3A_373 = vector.shape_cast %swap3A_372 : vector<1x1x16xf32> to vector<16xf32>
        %swap3A_374 = vector.shape_cast %add3A_364 : vector<16xf32> to vector<1x1x16xf32>
        tpu.vector_store %arg7[%swap3A_369, %swap3A_370, %swap3A_371], %swap3A_374 {strides = array<i32>} : memref<2x16x2048xf32, #tpu.memory_space<vmem>>, vector<1x1x16xf32>,
        %mul3A_375 = arith.constant 16 : i32
        %mul3A_376 = arith.muli %scan3A_171, %mul3A_375 : i32
        %get3A_377 = arith.constant 11 : i32
        %get3A_378 = arith.index_cast %get3A_377 : i32 to index
        %get3A_379 = arith.index_cast %mul3A_376 : i32 to index
        %get3A_380 = tpu.vector_load %arg5[%get3A_378, %get3A_379] {strides = array<i32>} : memref<16x2048xf32, #tpu.memory_space<vmem>>, vector<1x16xf32>,
        %get3A_381 = vector.shape_cast %get3A_380 : vector<1x16xf32> to vector<16xf32>
        %add3A_382 = arith.addf %get3A_381, %get3A_177 : vector<16xf32>
        %mul3A_383 = arith.constant 16 : i32
        %mul3A_384 = arith.muli %scan3A_171, %mul3A_383 : i32
        %swap3A_385 = arith.constant 0 : i32
        %swap3A_386 = arith.constant 11 : i32
        %swap3A_387 = arith.index_cast %swap3A_385 : i32 to index
        %swap3A_388 = arith.index_cast %swap3A_386 : i32 to index
        %swap3A_389 = arith.index_cast %mul3A_384 : i32 to index
        %swap3A_390 = tpu.vector_load %arg7[%swap3A_387, %swap3A_388, %swap3A_389] {strides = array<i32>} : memref<2x16x2048xf32, #tpu.memory_space<vmem>>, vector<1x1x16xf32>,
        %swap3A_391 = vector.shape_cast %swap3A_390 : vector<1x1x16xf32> to vector<16xf32>
        %swap3A_392 = vector.shape_cast %add3A_382 : vector<16xf32> to vector<1x1x16xf32>
        tpu.vector_store %arg7[%swap3A_387, %swap3A_388, %swap3A_389], %swap3A_392 {strides = array<i32>} : memref<2x16x2048xf32, #tpu.memory_space<vmem>>, vector<1x1x16xf32>,
        %mul3A_393 = arith.constant 16 : i32
        %mul3A_394 = arith.muli %scan3A_171, %mul3A_393 : i32
        %get3A_395 = arith.constant 12 : i32
        %get3A_396 = arith.index_cast %get3A_395 : i32 to index
        %get3A_397 = arith.index_cast %mul3A_394 : i32 to index
        %get3A_398 = tpu.vector_load %arg5[%get3A_396, %get3A_397] {strides = array<i32>} : memref<16x2048xf32, #tpu.memory_space<vmem>>, vector<1x16xf32>,
        %get3A_399 = vector.shape_cast %get3A_398 : vector<1x16xf32> to vector<16xf32>
        %add3A_400 = arith.addf %get3A_399, %get3A_177 : vector<16xf32>
        %mul3A_401 = arith.constant 16 : i32
        %mul3A_402 = arith.muli %scan3A_171, %mul3A_401 : i32
        %swap3A_403 = arith.constant 0 : i32
        %swap3A_404 = arith.constant 12 : i32
        %swap3A_405 = arith.index_cast %swap3A_403 : i32 to index
        %swap3A_406 = arith.index_cast %swap3A_404 : i32 to index
        %swap3A_407 = arith.index_cast %mul3A_402 : i32 to index
        %swap3A_408 = tpu.vector_load %arg7[%swap3A_405, %swap3A_406, %swap3A_407] {strides = array<i32>} : memref<2x16x2048xf32, #tpu.memory_space<vmem>>, vector<1x1x16xf32>,
        %swap3A_409 = vector.shape_cast %swap3A_408 : vector<1x1x16xf32> to vector<16xf32>
        %swap3A_410 = vector.shape_cast %add3A_400 : vector<16xf32> to vector<1x1x16xf32>
        tpu.vector_store %arg7[%swap3A_405, %swap3A_406, %swap3A_407], %swap3A_410 {strides = array<i32>} : memref<2x16x2048xf32, #tpu.memory_space<vmem>>, vector<1x1x16xf32>,
        %mul3A_411 = arith.constant 16 : i32
        %mul3A_412 = arith.muli %scan3A_171, %mul3A_411 : i32
        %get3A_413 = arith.constant 13 : i32
        %get3A_414 = arith.index_cast %get3A_413 : i32 to index
        %get3A_415 = arith.index_cast %mul3A_412 : i32 to index
        %get3A_416 = tpu.vector_load %arg5[%get3A_414, %get3A_415] {strides = array<i32>} : memref<16x2048xf32, #tpu.memory_space<vmem>>, vector<1x16xf32>,
        %get3A_417 = vector.shape_cast %get3A_416 : vector<1x16xf32> to vector<16xf32>
        %add3A_418 = arith.addf %get3A_417, %get3A_177 : vector<16xf32>
        %mul3A_419 = arith.constant 16 : i32
        %mul3A_420 = arith.muli %scan3A_171, %mul3A_419 : i32
        %swap3A_421 = arith.constant 0 : i32
        %swap3A_422 = arith.constant 13 : i32
        %swap3A_423 = arith.index_cast %swap3A_421 : i32 to index
        %swap3A_424 = arith.index_cast %swap3A_422 : i32 to index
        %swap3A_425 = arith.index_cast %mul3A_420 : i32 to index
        %swap3A_426 = tpu.vector_load %arg7[%swap3A_423, %swap3A_424, %swap3A_425] {strides = array<i32>} : memref<2x16x2048xf32, #tpu.memory_space<vmem>>, vector<1x1x16xf32>,
        %swap3A_427 = vector.shape_cast %swap3A_426 : vector<1x1x16xf32> to vector<16xf32>
        %swap3A_428 = vector.shape_cast %add3A_418 : vector<16xf32> to vector<1x1x16xf32>
        tpu.vector_store %arg7[%swap3A_423, %swap3A_424, %swap3A_425], %swap3A_428 {strides = array<i32>} : memref<2x16x2048xf32, #tpu.memory_space<vmem>>, vector<1x1x16xf32>,
        %mul3A_429 = arith.constant 16 : i32
        %mul3A_430 = arith.muli %scan3A_171, %mul3A_429 : i32
        %get3A_431 = arith.constant 14 : i32
        %get3A_432 = arith.index_cast %get3A_431 : i32 to index
        %get3A_433 = arith.index_cast %mul3A_430 : i32 to index
        %get3A_434 = tpu.vector_load %arg5[%get3A_432, %get3A_433] {strides = array<i32>} : memref<16x2048xf32, #tpu.memory_space<vmem>>, vector<1x16xf32>,
        %get3A_435 = vector.shape_cast %get3A_434 : vector<1x16xf32> to vector<16xf32>
        %add3A_436 = arith.addf %get3A_435, %get3A_177 : vector<16xf32>
        %mul3A_437 = arith.constant 16 : i32
        %mul3A_438 = arith.muli %scan3A_171, %mul3A_437 : i32
        %swap3A_439 = arith.constant 0 : i32
        %swap3A_440 = arith.constant 14 : i32
        %swap3A_441 = arith.index_cast %swap3A_439 : i32 to index
        %swap3A_442 = arith.index_cast %swap3A_440 : i32 to index
        %swap3A_443 = arith.index_cast %mul3A_438 : i32 to index
        %swap3A_444 = tpu.vector_load %arg7[%swap3A_441, %swap3A_442, %swap3A_443] {strides = array<i32>} : memref<2x16x2048xf32, #tpu.memory_space<vmem>>, vector<1x1x16xf32>,
        %swap3A_445 = vector.shape_cast %swap3A_444 : vector<1x1x16xf32> to vector<16xf32>
        %swap3A_446 = vector.shape_cast %add3A_436 : vector<16xf32> to vector<1x1x16xf32>
        tpu.vector_store %arg7[%swap3A_441, %swap3A_442, %swap3A_443], %swap3A_446 {strides = array<i32>} : memref<2x16x2048xf32, #tpu.memory_space<vmem>>, vector<1x1x16xf32>,
        %mul3A_447 = arith.constant 16 : i32
        %mul3A_448 = arith.muli %scan3A_171, %mul3A_447 : i32
        %get3A_449 = arith.constant 15 : i32
        %get3A_450 = arith.index_cast %get3A_449 : i32 to index
        %get3A_451 = arith.index_cast %mul3A_448 : i32 to index
        %get3A_452 = tpu.vector_load %arg5[%get3A_450, %get3A_451] {strides = array<i32>} : memref<16x2048xf32, #tpu.memory_space<vmem>>, vector<1x16xf32>,
        %get3A_453 = vector.shape_cast %get3A_452 : vector<1x16xf32> to vector<16xf32>
        %add3A_454 = arith.addf %get3A_453, %get3A_177 : vector<16xf32>
        %mul3A_455 = arith.constant 16 : i32
        %mul3A_456 = arith.muli %scan3A_171, %mul3A_455 : i32
        %swap3A_457 = arith.constant 0 : i32
        %swap3A_458 = arith.constant 15 : i32
        %swap3A_459 = arith.index_cast %swap3A_457 : i32 to index
        %swap3A_460 = arith.index_cast %swap3A_458 : i32 to index
        %swap3A_461 = arith.index_cast %mul3A_456 : i32 to index
        %swap3A_462 = tpu.vector_load %arg7[%swap3A_459, %swap3A_460, %swap3A_461] {strides = array<i32>} : memref<2x16x2048xf32, #tpu.memory_space<vmem>>, vector<1x1x16xf32>,
        %swap3A_463 = vector.shape_cast %swap3A_462 : vector<1x1x16xf32> to vector<16xf32>
        %swap3A_464 = vector.shape_cast %add3A_454 : vector<16xf32> to vector<1x1x16xf32>
        tpu.vector_store %arg7[%swap3A_459, %swap3A_460, %swap3A_461], %swap3A_464 {strides = array<i32>} : memref<2x16x2048xf32, #tpu.memory_space<vmem>>, vector<1x1x16xf32>,
      }
      %scan3A_99 = arith.constant 128 : i32
      %dma_start3A_100 = arith.constant 0 : i32
      %dma_start3A_101 = arith.constant 0 : i32
      %dma_start3A_102 = arith.constant 0 : i32
      %dma_start3A_103 = tpu.memref_slice %arg7[%dma_start3A_100, %dma_start3A_101, %dma_start3A_102] : memref<2x16x2048xf32, #tpu.memory_space<vmem>> -> memref<1x16x2048xf32, #tpu.memory_space<vmem>>
      %dma_start3A_104 = tpu.memref_squeeze %dma_start3A_103 : memref<1x16x2048xf32, #tpu.memory_space<vmem>> -> memref<16x2048xf32, #tpu.memory_space<vmem>>
      %dma_start3A_105 = arith.constant 0 : i32
      %dma_start3A_106 = tpu.memref_slice %arg4[%add3A_78, %mul3A_2, %dma_start3A_105] : memref<64x512x2048xf32, #tpu.memory_space<hbm>> -> memref<1x16x2048xf32, #tpu.memory_space<hbm>>
      %dma_start3A_107 = tpu.memref_squeeze %dma_start3A_106 : memref<1x16x2048xf32, #tpu.memory_space<hbm>> -> memref<16x2048xf32, #tpu.memory_space<hbm>>
      %dma_start3A_108 = arith.constant 0 : i32
      %dma_start3A_109 = tpu.memref_slice %arg4[%add3A_78, %mul3A_2, %dma_start3A_108] : memref<64x512x2048xf32, #tpu.memory_space<hbm>> -> memref<1x16x2048xf32, #tpu.memory_space<hbm>>
      %dma_start3A_110 = tpu.memref_squeeze %dma_start3A_109 : memref<1x16x2048xf32, #tpu.memory_space<hbm>> -> memref<16x2048xf32, #tpu.memory_space<hbm>>
      %dma_start3A_111 = arith.constant 0 : i32
      %dma_start3A_112 = arith.constant 0 : i32
      %dma_start3A_113 = tpu.memref_slice %arg7[%dma_start3A_100, %dma_start3A_111, %dma_start3A_112] : memref<2x16x2048xf32, #tpu.memory_space<vmem>> -> memref<1x16x2048xf32, #tpu.memory_space<vmem>>
      %dma_start3A_114 = tpu.memref_squeeze %dma_start3A_113 : memref<1x16x2048xf32, #tpu.memory_space<vmem>> -> memref<16x2048xf32, #tpu.memory_space<vmem>>
      tpu.enqueue_dma source(%dma_start3A_114 : memref<16x2048xf32, #tpu.memory_space<vmem>>) target(%dma_start3A_110 : memref<16x2048xf32, #tpu.memory_space<hbm>>) target_semaphore(%arg11 : memref<!tpu.dma_semaphore, #tpu.memory_space<semaphore_mem>>)
      %add3A_115 = arith.constant 2 : i32
      %add3A_116 = arith.addi %add3A_78, %add3A_115 : i32
      %lt3A = arith.constant 64 : i32
      %lt3A_117 = arith.cmpi slt, %add3A_116, %lt3A : i32
      %convert_element_type3A_118 = arith.extui %lt3A_117 : i1 to i32
      %cond3A_119 = arith.constant 0 : i32
      %cond3A_120 = arith.cmpi ne, %convert_element_type3A_118, %cond3A_119 : i32
      scf.if %cond3A_120 {
        %add3A_171 = arith.constant 2 : i32
        %add3A_172 = arith.addi %add3A_78, %add3A_171 : i32
        %dma_start3A_173 = arith.constant 0 : i32
        %dma_start3A_174 = arith.constant 0 : i32
        %dma_start3A_175 = tpu.memref_slice %arg6[%dma_start3A_173, %dma_start3A_174] : memref<2x2048xf32, #tpu.memory_space<vmem>> -> memref<1x2048xf32, #tpu.memory_space<vmem>>
        %dma_start3A_176 = tpu.memref_squeeze %dma_start3A_175 : memref<1x2048xf32, #tpu.memory_space<vmem>> -> memref<2048xf32, #tpu.memory_space<vmem>>
        %dma_start3A_177 = arith.constant 0 : i32
        %dma_start3A_178 = tpu.memref_slice %arg2[%add3A_172, %dma_start3A_177] : memref<64x2048xf32, #tpu.memory_space<hbm>> -> memref<1x2048xf32, #tpu.memory_space<hbm>>
        %dma_start3A_179 = tpu.memref_squeeze %dma_start3A_178 : memref<1x2048xf32, #tpu.memory_space<hbm>> -> memref<2048xf32, #tpu.memory_space<hbm>>
        %dma_start3A_180 = arith.constant 0 : i32
        %dma_start3A_181 = tpu.memref_slice %arg6[%dma_start3A_173, %dma_start3A_180] : memref<2x2048xf32, #tpu.memory_space<vmem>> -> memref<1x2048xf32, #tpu.memory_space<vmem>>
        %dma_start3A_182 = tpu.memref_squeeze %dma_start3A_181 : memref<1x2048xf32, #tpu.memory_space<vmem>> -> memref<2048xf32, #tpu.memory_space<vmem>>
        %dma_start3A_183 = arith.constant 0 : i32
        %dma_start3A_184 = tpu.memref_slice %arg2[%add3A_172, %dma_start3A_183] : memref<64x2048xf32, #tpu.memory_space<hbm>> -> memref<1x2048xf32, #tpu.memory_space<hbm>>
        %dma_start3A_185 = tpu.memref_squeeze %dma_start3A_184 : memref<1x2048xf32, #tpu.memory_space<hbm>> -> memref<2048xf32, #tpu.memory_space<hbm>>
        tpu.enqueue_dma source(%dma_start3A_185 : memref<2048xf32, #tpu.memory_space<hbm>>) target(%dma_start3A_182 : memref<2048xf32, #tpu.memory_space<vmem>>) target_semaphore(%arg9 : memref<!tpu.dma_semaphore, #tpu.memory_space<semaphore_mem>>)
      } else {
      }
      %mul3A_121 = arith.constant 2 : i32
      %mul3A_122 = arith.muli %scan3A_74, %mul3A_121 : i32
      %add3A_123 = arith.constant 1 : i32
      %add3A_124 = arith.addi %mul3A_122, %add3A_123 : i32
      %dma_wait3A_125 = arith.constant 1 : i32
      %dma_wait3A_126 = arith.constant 0 : i32
      %dma_wait3A_127 = tpu.memref_slice %arg6[%dma_wait3A_125, %dma_wait3A_126] : memref<2x2048xf32, #tpu.memory_space<vmem>> -> memref<1x2048xf32, #tpu.memory_space<vmem>>
      %dma_wait3A_128 = tpu.memref_squeeze %dma_wait3A_127 : memref<1x2048xf32, #tpu.memory_space<vmem>> -> memref<2048xf32, #tpu.memory_space<vmem>>
      %dma_wait3A_129 = arith.constant 0 : i32
      %dma_wait3A_130 = tpu.memref_slice %arg2[%add3A_124, %dma_wait3A_129] : memref<64x2048xf32, #tpu.memory_space<hbm>> -> memref<1x2048xf32, #tpu.memory_space<hbm>>
      %dma_wait3A_131 = tpu.memref_squeeze %dma_wait3A_130 : memref<1x2048xf32, #tpu.memory_space<hbm>> -> memref<2048xf32, #tpu.memory_space<hbm>>
      %dma_wait3A_132 = arith.constant 0 : i32
      %dma_wait3A_133 = tpu.memref_slice %arg6[%dma_wait3A_125, %dma_wait3A_132] : memref<2x2048xf32, #tpu.memory_space<vmem>> -> memref<1x2048xf32, #tpu.memory_space<vmem>>
      %dma_wait3A_134 = tpu.memref_squeeze %dma_wait3A_133 : memref<1x2048xf32, #tpu.memory_space<vmem>> -> memref<2048xf32, #tpu.memory_space<vmem>>
      %dma_wait3A_135 = arith.constant 0 : i32
      %dma_wait3A_136 = tpu.memref_slice %arg2[%add3A_124, %dma_wait3A_135] : memref<64x2048xf32, #tpu.memory_space<hbm>> -> memref<1x2048xf32, #tpu.memory_space<hbm>>
      %dma_wait3A_137 = tpu.memref_squeeze %dma_wait3A_136 : memref<1x2048xf32, #tpu.memory_space<hbm>> -> memref<2048xf32, #tpu.memory_space<hbm>>
      tpu.wait_dma2 semaphore(%arg10 : memref<!tpu.dma_semaphore, #tpu.memory_space<semaphore_mem>>) src(%dma_wait3A_137 : memref<2048xf32, #tpu.memory_space<hbm>>) dst(%dma_wait3A_134 : memref<2048xf32, #tpu.memory_space<vmem>>)
      %gt3A_138 = arith.constant 0 : i32
      %gt3A_139 = arith.cmpi sgt, %scan3A_74, %gt3A_138 : i32
      %convert_element_type3A_140 = arith.extui %gt3A_139 : i1 to i32
      %cond3A_141 = arith.constant 0 : i32
      %cond3A_142 = arith.cmpi ne, %convert_element_type3A_140, %cond3A_141 : i32
      scf.if %cond3A_142 {
        %sub3A = arith.constant 2 : i32
        %sub3A_171 = arith.subi %add3A_124, %sub3A : i32
        %dma_wait3A_172 = arith.constant 1 : i32
        %dma_wait3A_173 = arith.constant 0 : i32
        %dma_wait3A_174 = arith.constant 0 : i32
        %dma_wait3A_175 = tpu.memref_slice %arg7[%dma_wait3A_172, %dma_wait3A_173, %dma_wait3A_174] : memref<2x16x2048xf32, #tpu.memory_space<vmem>> -> memref<1x16x2048xf32, #tpu.memory_space<vmem>>
        %dma_wait3A_176 = tpu.memref_squeeze %dma_wait3A_175 : memref<1x16x2048xf32, #tpu.memory_space<vmem>> -> memref<16x2048xf32, #tpu.memory_space<vmem>>
        %dma_wait3A_177 = arith.constant 0 : i32
        %dma_wait3A_178 = tpu.memref_slice %arg4[%sub3A_171, %mul3A_2, %dma_wait3A_177] : memref<64x512x2048xf32, #tpu.memory_space<hbm>> -> memref<1x16x2048xf32, #tpu.memory_space<hbm>>
        %dma_wait3A_179 = tpu.memref_squeeze %dma_wait3A_178 : memref<1x16x2048xf32, #tpu.memory_space<hbm>> -> memref<16x2048xf32, #tpu.memory_space<hbm>>
        %dma_wait3A_180 = arith.constant 0 : i32
        %dma_wait3A_181 = tpu.memref_slice %arg4[%sub3A_171, %mul3A_2, %dma_wait3A_180] : memref<64x512x2048xf32, #tpu.memory_space<hbm>> -> memref<1x16x2048xf32, #tpu.memory_space<hbm>>
        %dma_wait3A_182 = tpu.memref_squeeze %dma_wait3A_181 : memref<1x16x2048xf32, #tpu.memory_space<hbm>> -> memref<16x2048xf32, #tpu.memory_space<hbm>>
        %dma_wait3A_183 = arith.constant 0 : i32
        %dma_wait3A_184 = arith.constant 0 : i32
        %dma_wait3A_185 = tpu.memref_slice %arg7[%dma_wait3A_172, %dma_wait3A_183, %dma_wait3A_184] : memref<2x16x2048xf32, #tpu.memory_space<vmem>> -> memref<1x16x2048xf32, #tpu.memory_space<vmem>>
        %dma_wait3A_186 = tpu.memref_squeeze %dma_wait3A_185 : memref<1x16x2048xf32, #tpu.memory_space<vmem>> -> memref<16x2048xf32, #tpu.memory_space<vmem>>
        tpu.wait_dma2 semaphore(%arg12 : memref<!tpu.dma_semaphore, #tpu.memory_space<semaphore_mem>>) src(%dma_wait3A_186 : memref<16x2048xf32, #tpu.memory_space<vmem>>) dst(%dma_wait3A_182 : memref<16x2048xf32, #tpu.memory_space<hbm>>)
      } else {
      }
      %scan3A_143 = arith.constant 0 : i32
      %scan3A_144 = arith.constant 0 : i32
      %scan3A_145 = arith.constant 128 : i32
      %scan3A_146 = arith.addi %scan3A_144, %scan3A_145 : i32
      %scan3A_147 = arith.constant 1 : i32
      scf.for %scan3A_171 = %scan3A_144 to %scan3A_146 step %scan3A_147  : i32 {
        %mul3A_172 = arith.constant 16 : i32
        %mul3A_173 = arith.muli %scan3A_171, %mul3A_172 : i32
        %get3A = arith.constant 1 : i32
        %get3A_174 = arith.index_cast %get3A : i32 to index
        %get3A_175 = arith.index_cast %mul3A_173 : i32 to index
        %get3A_176 = tpu.vector_load %arg6[%get3A_174, %get3A_175] {strides = array<i32>} : memref<2x2048xf32, #tpu.memory_space<vmem>>, vector<1x16xf32>,
        %get3A_177 = vector.shape_cast %get3A_176 : vector<1x16xf32> to vector<16xf32>
        %mul3A_178 = arith.constant 16 : i32
        %mul3A_179 = arith.muli %scan3A_171, %mul3A_178 : i32
        %get3A_180 = arith.constant 0 : i32
        %get3A_181 = arith.index_cast %get3A_180 : i32 to index
        %get3A_182 = arith.index_cast %mul3A_179 : i32 to index
        %get3A_183 = tpu.vector_load %arg5[%get3A_181, %get3A_182] {strides = array<i32>} : memref<16x2048xf32, #tpu.memory_space<vmem>>, vector<1x16xf32>,
        %get3A_184 = vector.shape_cast %get3A_183 : vector<1x16xf32> to vector<16xf32>
        %add3A_185 = arith.addf %get3A_184, %get3A_177 : vector<16xf32>
        %mul3A_186 = arith.constant 16 : i32
        %mul3A_187 = arith.muli %scan3A_171, %mul3A_186 : i32
        %swap3A = arith.constant 1 : i32
        %swap3A_188 = arith.constant 0 : i32
        %swap3A_189 = arith.index_cast %swap3A : i32 to index
        %swap3A_190 = arith.index_cast %swap3A_188 : i32 to index
        %swap3A_191 = arith.index_cast %mul3A_187 : i32 to index
        %swap3A_192 = tpu.vector_load %arg7[%swap3A_189, %swap3A_190, %swap3A_191] {strides = array<i32>} : memref<2x16x2048xf32, #tpu.memory_space<vmem>>, vector<1x1x16xf32>,
        %swap3A_193 = vector.shape_cast %swap3A_192 : vector<1x1x16xf32> to vector<16xf32>
        %swap3A_194 = vector.shape_cast %add3A_185 : vector<16xf32> to vector<1x1x16xf32>
        tpu.vector_store %arg7[%swap3A_189, %swap3A_190, %swap3A_191], %swap3A_194 {strides = array<i32>} : memref<2x16x2048xf32, #tpu.memory_space<vmem>>, vector<1x1x16xf32>,
        %mul3A_195 = arith.constant 16 : i32
        %mul3A_196 = arith.muli %scan3A_171, %mul3A_195 : i32
        %get3A_197 = arith.constant 1 : i32
        %get3A_198 = arith.index_cast %get3A_197 : i32 to index
        %get3A_199 = arith.index_cast %mul3A_196 : i32 to index
        %get3A_200 = tpu.vector_load %arg5[%get3A_198, %get3A_199] {strides = array<i32>} : memref<16x2048xf32, #tpu.memory_space<vmem>>, vector<1x16xf32>,
        %get3A_201 = vector.shape_cast %get3A_200 : vector<1x16xf32> to vector<16xf32>
        %add3A_202 = arith.addf %get3A_201, %get3A_177 : vector<16xf32>
        %mul3A_203 = arith.constant 16 : i32
        %mul3A_204 = arith.muli %scan3A_171, %mul3A_203 : i32
        %swap3A_205 = arith.constant 1 : i32
        %swap3A_206 = arith.constant 1 : i32
        %swap3A_207 = arith.index_cast %swap3A_205 : i32 to index
        %swap3A_208 = arith.index_cast %swap3A_206 : i32 to index
        %swap3A_209 = arith.index_cast %mul3A_204 : i32 to index
        %swap3A_210 = tpu.vector_load %arg7[%swap3A_207, %swap3A_208, %swap3A_209] {strides = array<i32>} : memref<2x16x2048xf32, #tpu.memory_space<vmem>>, vector<1x1x16xf32>,
        %swap3A_211 = vector.shape_cast %swap3A_210 : vector<1x1x16xf32> to vector<16xf32>
        %swap3A_212 = vector.shape_cast %add3A_202 : vector<16xf32> to vector<1x1x16xf32>
        tpu.vector_store %arg7[%swap3A_207, %swap3A_208, %swap3A_209], %swap3A_212 {strides = array<i32>} : memref<2x16x2048xf32, #tpu.memory_space<vmem>>, vector<1x1x16xf32>,
        %mul3A_213 = arith.constant 16 : i32
        %mul3A_214 = arith.muli %scan3A_171, %mul3A_213 : i32
        %get3A_215 = arith.constant 2 : i32
        %get3A_216 = arith.index_cast %get3A_215 : i32 to index
        %get3A_217 = arith.index_cast %mul3A_214 : i32 to index
        %get3A_218 = tpu.vector_load %arg5[%get3A_216, %get3A_217] {strides = array<i32>} : memref<16x2048xf32, #tpu.memory_space<vmem>>, vector<1x16xf32>,
        %get3A_219 = vector.shape_cast %get3A_218 : vector<1x16xf32> to vector<16xf32>
        %add3A_220 = arith.addf %get3A_219, %get3A_177 : vector<16xf32>
        %mul3A_221 = arith.constant 16 : i32
        %mul3A_222 = arith.muli %scan3A_171, %mul3A_221 : i32
        %swap3A_223 = arith.constant 1 : i32
        %swap3A_224 = arith.constant 2 : i32
        %swap3A_225 = arith.index_cast %swap3A_223 : i32 to index
        %swap3A_226 = arith.index_cast %swap3A_224 : i32 to index
        %swap3A_227 = arith.index_cast %mul3A_222 : i32 to index
        %swap3A_228 = tpu.vector_load %arg7[%swap3A_225, %swap3A_226, %swap3A_227] {strides = array<i32>} : memref<2x16x2048xf32, #tpu.memory_space<vmem>>, vector<1x1x16xf32>,
        %swap3A_229 = vector.shape_cast %swap3A_228 : vector<1x1x16xf32> to vector<16xf32>
        %swap3A_230 = vector.shape_cast %add3A_220 : vector<16xf32> to vector<1x1x16xf32>
        tpu.vector_store %arg7[%swap3A_225, %swap3A_226, %swap3A_227], %swap3A_230 {strides = array<i32>} : memref<2x16x2048xf32, #tpu.memory_space<vmem>>, vector<1x1x16xf32>,
        %mul3A_231 = arith.constant 16 : i32
        %mul3A_232 = arith.muli %scan3A_171, %mul3A_231 : i32
        %get3A_233 = arith.constant 3 : i32
        %get3A_234 = arith.index_cast %get3A_233 : i32 to index
        %get3A_235 = arith.index_cast %mul3A_232 : i32 to index
        %get3A_236 = tpu.vector_load %arg5[%get3A_234, %get3A_235] {strides = array<i32>} : memref<16x2048xf32, #tpu.memory_space<vmem>>, vector<1x16xf32>,
        %get3A_237 = vector.shape_cast %get3A_236 : vector<1x16xf32> to vector<16xf32>
        %add3A_238 = arith.addf %get3A_237, %get3A_177 : vector<16xf32>
        %mul3A_239 = arith.constant 16 : i32
        %mul3A_240 = arith.muli %scan3A_171, %mul3A_239 : i32
        %swap3A_241 = arith.constant 1 : i32
        %swap3A_242 = arith.constant 3 : i32
        %swap3A_243 = arith.index_cast %swap3A_241 : i32 to index
        %swap3A_244 = arith.index_cast %swap3A_242 : i32 to index
        %swap3A_245 = arith.index_cast %mul3A_240 : i32 to index
        %swap3A_246 = tpu.vector_load %arg7[%swap3A_243, %swap3A_244, %swap3A_245] {strides = array<i32>} : memref<2x16x2048xf32, #tpu.memory_space<vmem>>, vector<1x1x16xf32>,
        %swap3A_247 = vector.shape_cast %swap3A_246 : vector<1x1x16xf32> to vector<16xf32>
        %swap3A_248 = vector.shape_cast %add3A_238 : vector<16xf32> to vector<1x1x16xf32>
        tpu.vector_store %arg7[%swap3A_243, %swap3A_244, %swap3A_245], %swap3A_248 {strides = array<i32>} : memref<2x16x2048xf32, #tpu.memory_space<vmem>>, vector<1x1x16xf32>,
        %mul3A_249 = arith.constant 16 : i32
        %mul3A_250 = arith.muli %scan3A_171, %mul3A_249 : i32
        %get3A_251 = arith.constant 4 : i32
        %get3A_252 = arith.index_cast %get3A_251 : i32 to index
        %get3A_253 = arith.index_cast %mul3A_250 : i32 to index
        %get3A_254 = tpu.vector_load %arg5[%get3A_252, %get3A_253] {strides = array<i32>} : memref<16x2048xf32, #tpu.memory_space<vmem>>, vector<1x16xf32>,
        %get3A_255 = vector.shape_cast %get3A_254 : vector<1x16xf32> to vector<16xf32>
        %add3A_256 = arith.addf %get3A_255, %get3A_177 : vector<16xf32>
        %mul3A_257 = arith.constant 16 : i32
        %mul3A_258 = arith.muli %scan3A_171, %mul3A_257 : i32
        %swap3A_259 = arith.constant 1 : i32
        %swap3A_260 = arith.constant 4 : i32
        %swap3A_261 = arith.index_cast %swap3A_259 : i32 to index
        %swap3A_262 = arith.index_cast %swap3A_260 : i32 to index
        %swap3A_263 = arith.index_cast %mul3A_258 : i32 to index
        %swap3A_264 = tpu.vector_load %arg7[%swap3A_261, %swap3A_262, %swap3A_263] {strides = array<i32>} : memref<2x16x2048xf32, #tpu.memory_space<vmem>>, vector<1x1x16xf32>,
        %swap3A_265 = vector.shape_cast %swap3A_264 : vector<1x1x16xf32> to vector<16xf32>
        %swap3A_266 = vector.shape_cast %add3A_256 : vector<16xf32> to vector<1x1x16xf32>
        tpu.vector_store %arg7[%swap3A_261, %swap3A_262, %swap3A_263], %swap3A_266 {strides = array<i32>} : memref<2x16x2048xf32, #tpu.memory_space<vmem>>, vector<1x1x16xf32>,
        %mul3A_267 = arith.constant 16 : i32
        %mul3A_268 = arith.muli %scan3A_171, %mul3A_267 : i32
        %get3A_269 = arith.constant 5 : i32
        %get3A_270 = arith.index_cast %get3A_269 : i32 to index
        %get3A_271 = arith.index_cast %mul3A_268 : i32 to index
        %get3A_272 = tpu.vector_load %arg5[%get3A_270, %get3A_271] {strides = array<i32>} : memref<16x2048xf32, #tpu.memory_space<vmem>>, vector<1x16xf32>,
        %get3A_273 = vector.shape_cast %get3A_272 : vector<1x16xf32> to vector<16xf32>
        %add3A_274 = arith.addf %get3A_273, %get3A_177 : vector<16xf32>
        %mul3A_275 = arith.constant 16 : i32
        %mul3A_276 = arith.muli %scan3A_171, %mul3A_275 : i32
        %swap3A_277 = arith.constant 1 : i32
        %swap3A_278 = arith.constant 5 : i32
        %swap3A_279 = arith.index_cast %swap3A_277 : i32 to index
        %swap3A_280 = arith.index_cast %swap3A_278 : i32 to index
        %swap3A_281 = arith.index_cast %mul3A_276 : i32 to index
        %swap3A_282 = tpu.vector_load %arg7[%swap3A_279, %swap3A_280, %swap3A_281] {strides = array<i32>} : memref<2x16x2048xf32, #tpu.memory_space<vmem>>, vector<1x1x16xf32>,
        %swap3A_283 = vector.shape_cast %swap3A_282 : vector<1x1x16xf32> to vector<16xf32>
        %swap3A_284 = vector.shape_cast %add3A_274 : vector<16xf32> to vector<1x1x16xf32>
        tpu.vector_store %arg7[%swap3A_279, %swap3A_280, %swap3A_281], %swap3A_284 {strides = array<i32>} : memref<2x16x2048xf32, #tpu.memory_space<vmem>>, vector<1x1x16xf32>,
        %mul3A_285 = arith.constant 16 : i32
        %mul3A_286 = arith.muli %scan3A_171, %mul3A_285 : i32
        %get3A_287 = arith.constant 6 : i32
        %get3A_288 = arith.index_cast %get3A_287 : i32 to index
        %get3A_289 = arith.index_cast %mul3A_286 : i32 to index
        %get3A_290 = tpu.vector_load %arg5[%get3A_288, %get3A_289] {strides = array<i32>} : memref<16x2048xf32, #tpu.memory_space<vmem>>, vector<1x16xf32>,
        %get3A_291 = vector.shape_cast %get3A_290 : vector<1x16xf32> to vector<16xf32>
        %add3A_292 = arith.addf %get3A_291, %get3A_177 : vector<16xf32>
        %mul3A_293 = arith.constant 16 : i32
        %mul3A_294 = arith.muli %scan3A_171, %mul3A_293 : i32
        %swap3A_295 = arith.constant 1 : i32
        %swap3A_296 = arith.constant 6 : i32
        %swap3A_297 = arith.index_cast %swap3A_295 : i32 to index
        %swap3A_298 = arith.index_cast %swap3A_296 : i32 to index
        %swap3A_299 = arith.index_cast %mul3A_294 : i32 to index
        %swap3A_300 = tpu.vector_load %arg7[%swap3A_297, %swap3A_298, %swap3A_299] {strides = array<i32>} : memref<2x16x2048xf32, #tpu.memory_space<vmem>>, vector<1x1x16xf32>,
        %swap3A_301 = vector.shape_cast %swap3A_300 : vector<1x1x16xf32> to vector<16xf32>
        %swap3A_302 = vector.shape_cast %add3A_292 : vector<16xf32> to vector<1x1x16xf32>
        tpu.vector_store %arg7[%swap3A_297, %swap3A_298, %swap3A_299], %swap3A_302 {strides = array<i32>} : memref<2x16x2048xf32, #tpu.memory_space<vmem>>, vector<1x1x16xf32>,
        %mul3A_303 = arith.constant 16 : i32
        %mul3A_304 = arith.muli %scan3A_171, %mul3A_303 : i32
        %get3A_305 = arith.constant 7 : i32
        %get3A_306 = arith.index_cast %get3A_305 : i32 to index
        %get3A_307 = arith.index_cast %mul3A_304 : i32 to index
        %get3A_308 = tpu.vector_load %arg5[%get3A_306, %get3A_307] {strides = array<i32>} : memref<16x2048xf32, #tpu.memory_space<vmem>>, vector<1x16xf32>,
        %get3A_309 = vector.shape_cast %get3A_308 : vector<1x16xf32> to vector<16xf32>
        %add3A_310 = arith.addf %get3A_309, %get3A_177 : vector<16xf32>
        %mul3A_311 = arith.constant 16 : i32
        %mul3A_312 = arith.muli %scan3A_171, %mul3A_311 : i32
        %swap3A_313 = arith.constant 1 : i32
        %swap3A_314 = arith.constant 7 : i32
        %swap3A_315 = arith.index_cast %swap3A_313 : i32 to index
        %swap3A_316 = arith.index_cast %swap3A_314 : i32 to index
        %swap3A_317 = arith.index_cast %mul3A_312 : i32 to index
        %swap3A_318 = tpu.vector_load %arg7[%swap3A_315, %swap3A_316, %swap3A_317] {strides = array<i32>} : memref<2x16x2048xf32, #tpu.memory_space<vmem>>, vector<1x1x16xf32>,
        %swap3A_319 = vector.shape_cast %swap3A_318 : vector<1x1x16xf32> to vector<16xf32>
        %swap3A_320 = vector.shape_cast %add3A_310 : vector<16xf32> to vector<1x1x16xf32>
        tpu.vector_store %arg7[%swap3A_315, %swap3A_316, %swap3A_317], %swap3A_320 {strides = array<i32>} : memref<2x16x2048xf32, #tpu.memory_space<vmem>>, vector<1x1x16xf32>,
        %mul3A_321 = arith.constant 16 : i32
        %mul3A_322 = arith.muli %scan3A_171, %mul3A_321 : i32
        %get3A_323 = arith.constant 8 : i32
        %get3A_324 = arith.index_cast %get3A_323 : i32 to index
        %get3A_325 = arith.index_cast %mul3A_322 : i32 to index
        %get3A_326 = tpu.vector_load %arg5[%get3A_324, %get3A_325] {strides = array<i32>} : memref<16x2048xf32, #tpu.memory_space<vmem>>, vector<1x16xf32>,
        %get3A_327 = vector.shape_cast %get3A_326 : vector<1x16xf32> to vector<16xf32>
        %add3A_328 = arith.addf %get3A_327, %get3A_177 : vector<16xf32>
        %mul3A_329 = arith.constant 16 : i32
        %mul3A_330 = arith.muli %scan3A_171, %mul3A_329 : i32
        %swap3A_331 = arith.constant 1 : i32
        %swap3A_332 = arith.constant 8 : i32
        %swap3A_333 = arith.index_cast %swap3A_331 : i32 to index
        %swap3A_334 = arith.index_cast %swap3A_332 : i32 to index
        %swap3A_335 = arith.index_cast %mul3A_330 : i32 to index
        %swap3A_336 = tpu.vector_load %arg7[%swap3A_333, %swap3A_334, %swap3A_335] {strides = array<i32>} : memref<2x16x2048xf32, #tpu.memory_space<vmem>>, vector<1x1x16xf32>,
        %swap3A_337 = vector.shape_cast %swap3A_336 : vector<1x1x16xf32> to vector<16xf32>
        %swap3A_338 = vector.shape_cast %add3A_328 : vector<16xf32> to vector<1x1x16xf32>
        tpu.vector_store %arg7[%swap3A_333, %swap3A_334, %swap3A_335], %swap3A_338 {strides = array<i32>} : memref<2x16x2048xf32, #tpu.memory_space<vmem>>, vector<1x1x16xf32>,
        %mul3A_339 = arith.constant 16 : i32
        %mul3A_340 = arith.muli %scan3A_171, %mul3A_339 : i32
        %get3A_341 = arith.constant 9 : i32
        %get3A_342 = arith.index_cast %get3A_341 : i32 to index
        %get3A_343 = arith.index_cast %mul3A_340 : i32 to index
        %get3A_344 = tpu.vector_load %arg5[%get3A_342, %get3A_343] {strides = array<i32>} : memref<16x2048xf32, #tpu.memory_space<vmem>>, vector<1x16xf32>,
        %get3A_345 = vector.shape_cast %get3A_344 : vector<1x16xf32> to vector<16xf32>
        %add3A_346 = arith.addf %get3A_345, %get3A_177 : vector<16xf32>
        %mul3A_347 = arith.constant 16 : i32
        %mul3A_348 = arith.muli %scan3A_171, %mul3A_347 : i32
        %swap3A_349 = arith.constant 1 : i32
        %swap3A_350 = arith.constant 9 : i32
        %swap3A_351 = arith.index_cast %swap3A_349 : i32 to index
        %swap3A_352 = arith.index_cast %swap3A_350 : i32 to index
        %swap3A_353 = arith.index_cast %mul3A_348 : i32 to index
        %swap3A_354 = tpu.vector_load %arg7[%swap3A_351, %swap3A_352, %swap3A_353] {strides = array<i32>} : memref<2x16x2048xf32, #tpu.memory_space<vmem>>, vector<1x1x16xf32>,
        %swap3A_355 = vector.shape_cast %swap3A_354 : vector<1x1x16xf32> to vector<16xf32>
        %swap3A_356 = vector.shape_cast %add3A_346 : vector<16xf32> to vector<1x1x16xf32>
        tpu.vector_store %arg7[%swap3A_351, %swap3A_352, %swap3A_353], %swap3A_356 {strides = array<i32>} : memref<2x16x2048xf32, #tpu.memory_space<vmem>>, vector<1x1x16xf32>,
        %mul3A_357 = arith.constant 16 : i32
        %mul3A_358 = arith.muli %scan3A_171, %mul3A_357 : i32
        %get3A_359 = arith.constant 10 : i32
        %get3A_360 = arith.index_cast %get3A_359 : i32 to index
        %get3A_361 = arith.index_cast %mul3A_358 : i32 to index
        %get3A_362 = tpu.vector_load %arg5[%get3A_360, %get3A_361] {strides = array<i32>} : memref<16x2048xf32, #tpu.memory_space<vmem>>, vector<1x16xf32>,
        %get3A_363 = vector.shape_cast %get3A_362 : vector<1x16xf32> to vector<16xf32>
        %add3A_364 = arith.addf %get3A_363, %get3A_177 : vector<16xf32>
        %mul3A_365 = arith.constant 16 : i32
        %mul3A_366 = arith.muli %scan3A_171, %mul3A_365 : i32
        %swap3A_367 = arith.constant 1 : i32
        %swap3A_368 = arith.constant 10 : i32
        %swap3A_369 = arith.index_cast %swap3A_367 : i32 to index
        %swap3A_370 = arith.index_cast %swap3A_368 : i32 to index
        %swap3A_371 = arith.index_cast %mul3A_366 : i32 to index
        %swap3A_372 = tpu.vector_load %arg7[%swap3A_369, %swap3A_370, %swap3A_371] {strides = array<i32>} : memref<2x16x2048xf32, #tpu.memory_space<vmem>>, vector<1x1x16xf32>,
        %swap3A_373 = vector.shape_cast %swap3A_372 : vector<1x1x16xf32> to vector<16xf32>
        %swap3A_374 = vector.shape_cast %add3A_364 : vector<16xf32> to vector<1x1x16xf32>
        tpu.vector_store %arg7[%swap3A_369, %swap3A_370, %swap3A_371], %swap3A_374 {strides = array<i32>} : memref<2x16x2048xf32, #tpu.memory_space<vmem>>, vector<1x1x16xf32>,
        %mul3A_375 = arith.constant 16 : i32
        %mul3A_376 = arith.muli %scan3A_171, %mul3A_375 : i32
        %get3A_377 = arith.constant 11 : i32
        %get3A_378 = arith.index_cast %get3A_377 : i32 to index
        %get3A_379 = arith.index_cast %mul3A_376 : i32 to index
        %get3A_380 = tpu.vector_load %arg5[%get3A_378, %get3A_379] {strides = array<i32>} : memref<16x2048xf32, #tpu.memory_space<vmem>>, vector<1x16xf32>,
        %get3A_381 = vector.shape_cast %get3A_380 : vector<1x16xf32> to vector<16xf32>
        %add3A_382 = arith.addf %get3A_381, %get3A_177 : vector<16xf32>
        %mul3A_383 = arith.constant 16 : i32
        %mul3A_384 = arith.muli %scan3A_171, %mul3A_383 : i32
        %swap3A_385 = arith.constant 1 : i32
        %swap3A_386 = arith.constant 11 : i32
        %swap3A_387 = arith.index_cast %swap3A_385 : i32 to index
        %swap3A_388 = arith.index_cast %swap3A_386 : i32 to index
        %swap3A_389 = arith.index_cast %mul3A_384 : i32 to index
        %swap3A_390 = tpu.vector_load %arg7[%swap3A_387, %swap3A_388, %swap3A_389] {strides = array<i32>} : memref<2x16x2048xf32, #tpu.memory_space<vmem>>, vector<1x1x16xf32>,
        %swap3A_391 = vector.shape_cast %swap3A_390 : vector<1x1x16xf32> to vector<16xf32>
        %swap3A_392 = vector.shape_cast %add3A_382 : vector<16xf32> to vector<1x1x16xf32>
        tpu.vector_store %arg7[%swap3A_387, %swap3A_388, %swap3A_389], %swap3A_392 {strides = array<i32>} : memref<2x16x2048xf32, #tpu.memory_space<vmem>>, vector<1x1x16xf32>,
        %mul3A_393 = arith.constant 16 : i32
        %mul3A_394 = arith.muli %scan3A_171, %mul3A_393 : i32
        %get3A_395 = arith.constant 12 : i32
        %get3A_396 = arith.index_cast %get3A_395 : i32 to index
        %get3A_397 = arith.index_cast %mul3A_394 : i32 to index
        %get3A_398 = tpu.vector_load %arg5[%get3A_396, %get3A_397] {strides = array<i32>} : memref<16x2048xf32, #tpu.memory_space<vmem>>, vector<1x16xf32>,
        %get3A_399 = vector.shape_cast %get3A_398 : vector<1x16xf32> to vector<16xf32>
        %add3A_400 = arith.addf %get3A_399, %get3A_177 : vector<16xf32>
        %mul3A_401 = arith.constant 16 : i32
        %mul3A_402 = arith.muli %scan3A_171, %mul3A_401 : i32
        %swap3A_403 = arith.constant 1 : i32
        %swap3A_404 = arith.constant 12 : i32
        %swap3A_405 = arith.index_cast %swap3A_403 : i32 to index
        %swap3A_406 = arith.index_cast %swap3A_404 : i32 to index
        %swap3A_407 = arith.index_cast %mul3A_402 : i32 to index
        %swap3A_408 = tpu.vector_load %arg7[%swap3A_405, %swap3A_406, %swap3A_407] {strides = array<i32>} : memref<2x16x2048xf32, #tpu.memory_space<vmem>>, vector<1x1x16xf32>,
        %swap3A_409 = vector.shape_cast %swap3A_408 : vector<1x1x16xf32> to vector<16xf32>
        %swap3A_410 = vector.shape_cast %add3A_400 : vector<16xf32> to vector<1x1x16xf32>
        tpu.vector_store %arg7[%swap3A_405, %swap3A_406, %swap3A_407], %swap3A_410 {strides = array<i32>} : memref<2x16x2048xf32, #tpu.memory_space<vmem>>, vector<1x1x16xf32>,
        %mul3A_411 = arith.constant 16 : i32
        %mul3A_412 = arith.muli %scan3A_171, %mul3A_411 : i32
        %get3A_413 = arith.constant 13 : i32
        %get3A_414 = arith.index_cast %get3A_413 : i32 to index
        %get3A_415 = arith.index_cast %mul3A_412 : i32 to index
        %get3A_416 = tpu.vector_load %arg5[%get3A_414, %get3A_415] {strides = array<i32>} : memref<16x2048xf32, #tpu.memory_space<vmem>>, vector<1x16xf32>,
        %get3A_417 = vector.shape_cast %get3A_416 : vector<1x16xf32> to vector<16xf32>
        %add3A_418 = arith.addf %get3A_417, %get3A_177 : vector<16xf32>
        %mul3A_419 = arith.constant 16 : i32
        %mul3A_420 = arith.muli %scan3A_171, %mul3A_419 : i32
        %swap3A_421 = arith.constant 1 : i32
        %swap3A_422 = arith.constant 13 : i32
        %swap3A_423 = arith.index_cast %swap3A_421 : i32 to index
        %swap3A_424 = arith.index_cast %swap3A_422 : i32 to index
        %swap3A_425 = arith.index_cast %mul3A_420 : i32 to index
        %swap3A_426 = tpu.vector_load %arg7[%swap3A_423, %swap3A_424, %swap3A_425] {strides = array<i32>} : memref<2x16x2048xf32, #tpu.memory_space<vmem>>, vector<1x1x16xf32>,
        %swap3A_427 = vector.shape_cast %swap3A_426 : vector<1x1x16xf32> to vector<16xf32>
        %swap3A_428 = vector.shape_cast %add3A_418 : vector<16xf32> to vector<1x1x16xf32>
        tpu.vector_store %arg7[%swap3A_423, %swap3A_424, %swap3A_425], %swap3A_428 {strides = array<i32>} : memref<2x16x2048xf32, #tpu.memory_space<vmem>>, vector<1x1x16xf32>,
        %mul3A_429 = arith.constant 16 : i32
        %mul3A_430 = arith.muli %scan3A_171, %mul3A_429 : i32
        %get3A_431 = arith.constant 14 : i32
        %get3A_432 = arith.index_cast %get3A_431 : i32 to index
        %get3A_433 = arith.index_cast %mul3A_430 : i32 to index
        %get3A_434 = tpu.vector_load %arg5[%get3A_432, %get3A_433] {strides = array<i32>} : memref<16x2048xf32, #tpu.memory_space<vmem>>, vector<1x16xf32>,
        %get3A_435 = vector.shape_cast %get3A_434 : vector<1x16xf32> to vector<16xf32>
        %add3A_436 = arith.addf %get3A_435, %get3A_177 : vector<16xf32>
        %mul3A_437 = arith.constant 16 : i32
        %mul3A_438 = arith.muli %scan3A_171, %mul3A_437 : i32
        %swap3A_439 = arith.constant 1 : i32
        %swap3A_440 = arith.constant 14 : i32
        %swap3A_441 = arith.index_cast %swap3A_439 : i32 to index
        %swap3A_442 = arith.index_cast %swap3A_440 : i32 to index
        %swap3A_443 = arith.index_cast %mul3A_438 : i32 to index
        %swap3A_444 = tpu.vector_load %arg7[%swap3A_441, %swap3A_442, %swap3A_443] {strides = array<i32>} : memref<2x16x2048xf32, #tpu.memory_space<vmem>>, vector<1x1x16xf32>,
        %swap3A_445 = vector.shape_cast %swap3A_444 : vector<1x1x16xf32> to vector<16xf32>
        %swap3A_446 = vector.shape_cast %add3A_436 : vector<16xf32> to vector<1x1x16xf32>
        tpu.vector_store %arg7[%swap3A_441, %swap3A_442, %swap3A_443], %swap3A_446 {strides = array<i32>} : memref<2x16x2048xf32, #tpu.memory_space<vmem>>, vector<1x1x16xf32>,
        %mul3A_447 = arith.constant 16 : i32
        %mul3A_448 = arith.muli %scan3A_171, %mul3A_447 : i32
        %get3A_449 = arith.constant 15 : i32
        %get3A_450 = arith.index_cast %get3A_449 : i32 to index
        %get3A_451 = arith.index_cast %mul3A_448 : i32 to index
        %get3A_452 = tpu.vector_load %arg5[%get3A_450, %get3A_451] {strides = array<i32>} : memref<16x2048xf32, #tpu.memory_space<vmem>>, vector<1x16xf32>,
        %get3A_453 = vector.shape_cast %get3A_452 : vector<1x16xf32> to vector<16xf32>
        %add3A_454 = arith.addf %get3A_453, %get3A_177 : vector<16xf32>
        %mul3A_455 = arith.constant 16 : i32
        %mul3A_456 = arith.muli %scan3A_171, %mul3A_455 : i32
        %swap3A_457 = arith.constant 1 : i32
        %swap3A_458 = arith.constant 15 : i32
        %swap3A_459 = arith.index_cast %swap3A_457 : i32 to index
        %swap3A_460 = arith.index_cast %swap3A_458 : i32 to index
        %swap3A_461 = arith.index_cast %mul3A_456 : i32 to index
        %swap3A_462 = tpu.vector_load %arg7[%swap3A_459, %swap3A_460, %swap3A_461] {strides = array<i32>} : memref<2x16x2048xf32, #tpu.memory_space<vmem>>, vector<1x1x16xf32>,
        %swap3A_463 = vector.shape_cast %swap3A_462 : vector<1x1x16xf32> to vector<16xf32>
        %swap3A_464 = vector.shape_cast %add3A_454 : vector<16xf32> to vector<1x1x16xf32>
        tpu.vector_store %arg7[%swap3A_459, %swap3A_460, %swap3A_461], %swap3A_464 {strides = array<i32>} : memref<2x16x2048xf32, #tpu.memory_space<vmem>>, vector<1x1x16xf32>,
      }
      %scan3A_148 = arith.constant 128 : i32
      %dma_start3A_149 = arith.constant 1 : i32
      %dma_start3A_150 = arith.constant 0 : i32
      %dma_start3A_151 = arith.constant 0 : i32
      %dma_start3A_152 = tpu.memref_slice %arg7[%dma_start3A_149, %dma_start3A_150, %dma_start3A_151] : memref<2x16x2048xf32, #tpu.memory_space<vmem>> -> memref<1x16x2048xf32, #tpu.memory_space<vmem>>
      %dma_start3A_153 = tpu.memref_squeeze %dma_start3A_152 : memref<1x16x2048xf32, #tpu.memory_space<vmem>> -> memref<16x2048xf32, #tpu.memory_space<vmem>>
      %dma_start3A_154 = arith.constant 0 : i32
      %dma_start3A_155 = tpu.memref_slice %arg4[%add3A_124, %mul3A_2, %dma_start3A_154] : memref<64x512x2048xf32, #tpu.memory_space<hbm>> -> memref<1x16x2048xf32, #tpu.memory_space<hbm>>
      %dma_start3A_156 = tpu.memref_squeeze %dma_start3A_155 : memref<1x16x2048xf32, #tpu.memory_space<hbm>> -> memref<16x2048xf32, #tpu.memory_space<hbm>>
      %dma_start3A_157 = arith.constant 0 : i32
      %dma_start3A_158 = tpu.memref_slice %arg4[%add3A_124, %mul3A_2, %dma_start3A_157] : memref<64x512x2048xf32, #tpu.memory_space<hbm>> -> memref<1x16x2048xf32, #tpu.memory_space<hbm>>
      %dma_start3A_159 = tpu.memref_squeeze %dma_start3A_158 : memref<1x16x2048xf32, #tpu.memory_space<hbm>> -> memref<16x2048xf32, #tpu.memory_space<hbm>>
      %dma_start3A_160 = arith.constant 0 : i32
      %dma_start3A_161 = arith.constant 0 : i32
      %dma_start3A_162 = tpu.memref_slice %arg7[%dma_start3A_149, %dma_start3A_160, %dma_start3A_161] : memref<2x16x2048xf32, #tpu.memory_space<vmem>> -> memref<1x16x2048xf32, #tpu.memory_space<vmem>>
      %dma_start3A_163 = tpu.memref_squeeze %dma_start3A_162 : memref<1x16x2048xf32, #tpu.memory_space<vmem>> -> memref<16x2048xf32, #tpu.memory_space<vmem>>
      tpu.enqueue_dma source(%dma_start3A_163 : memref<16x2048xf32, #tpu.memory_space<vmem>>) target(%dma_start3A_159 : memref<16x2048xf32, #tpu.memory_space<hbm>>) target_semaphore(%arg12 : memref<!tpu.dma_semaphore, #tpu.memory_space<semaphore_mem>>)
      %add3A_164 = arith.constant 2 : i32
      %add3A_165 = arith.addi %add3A_124, %add3A_164 : i32
      %lt3A_166 = arith.constant 64 : i32
      %lt3A_167 = arith.cmpi slt, %add3A_165, %lt3A_166 : i32
      %convert_element_type3A_168 = arith.extui %lt3A_167 : i1 to i32
      %cond3A_169 = arith.constant 0 : i32
      %cond3A_170 = arith.cmpi ne, %convert_element_type3A_168, %cond3A_169 : i32
      scf.if %cond3A_170 {
        %add3A_171 = arith.constant 2 : i32
        %add3A_172 = arith.addi %add3A_124, %add3A_171 : i32
        %dma_start3A_173 = arith.constant 1 : i32
        %dma_start3A_174 = arith.constant 0 : i32
        %dma_start3A_175 = tpu.memref_slice %arg6[%dma_start3A_173, %dma_start3A_174] : memref<2x2048xf32, #tpu.memory_space<vmem>> -> memref<1x2048xf32, #tpu.memory_space<vmem>>
        %dma_start3A_176 = tpu.memref_squeeze %dma_start3A_175 : memref<1x2048xf32, #tpu.memory_space<vmem>> -> memref<2048xf32, #tpu.memory_space<vmem>>
        %dma_start3A_177 = arith.constant 0 : i32
        %dma_start3A_178 = tpu.memref_slice %arg2[%add3A_172, %dma_start3A_177] : memref<64x2048xf32, #tpu.memory_space<hbm>> -> memref<1x2048xf32, #tpu.memory_space<hbm>>
        %dma_start3A_179 = tpu.memref_squeeze %dma_start3A_178 : memref<1x2048xf32, #tpu.memory_space<hbm>> -> memref<2048xf32, #tpu.memory_space<hbm>>
        %dma_start3A_180 = arith.constant 0 : i32
        %dma_start3A_181 = tpu.memref_slice %arg6[%dma_start3A_173, %dma_start3A_180] : memref<2x2048xf32, #tpu.memory_space<vmem>> -> memref<1x2048xf32, #tpu.memory_space<vmem>>
        %dma_start3A_182 = tpu.memref_squeeze %dma_start3A_181 : memref<1x2048xf32, #tpu.memory_space<vmem>> -> memref<2048xf32, #tpu.memory_space<vmem>>
        %dma_start3A_183 = arith.constant 0 : i32
        %dma_start3A_184 = tpu.memref_slice %arg2[%add3A_172, %dma_start3A_183] : memref<64x2048xf32, #tpu.memory_space<hbm>> -> memref<1x2048xf32, #tpu.memory_space<hbm>>
        %dma_start3A_185 = tpu.memref_squeeze %dma_start3A_184 : memref<1x2048xf32, #tpu.memory_space<hbm>> -> memref<2048xf32, #tpu.memory_space<hbm>>
        tpu.enqueue_dma source(%dma_start3A_185 : memref<2048xf32, #tpu.memory_space<hbm>>) target(%dma_start3A_182 : memref<2048xf32, #tpu.memory_space<vmem>>) target_semaphore(%arg10 : memref<!tpu.dma_semaphore, #tpu.memory_space<semaphore_mem>>)
      } else {
      }
    }
    %scan3A_41 = arith.constant 32 : i32
    %dma_wait3A_42 = arith.constant 0 : i32
    %dma_wait3A_43 = arith.constant 62 : i32
    %dma_wait3A_44 = arith.constant 0 : i32
    %dma_wait3A_45 = arith.constant 0 : i32
    %dma_wait3A_46 = tpu.memref_slice %arg7[%dma_wait3A_42, %dma_wait3A_44, %dma_wait3A_45] : memref<2x16x2048xf32, #tpu.memory_space<vmem>> -> memref<1x16x2048xf32, #tpu.memory_space<vmem>>
    %dma_wait3A_47 = tpu.memref_squeeze %dma_wait3A_46 : memref<1x16x2048xf32, #tpu.memory_space<vmem>> -> memref<16x2048xf32, #tpu.memory_space<vmem>>
    %dma_wait3A_48 = arith.constant 0 : i32
    %dma_wait3A_49 = tpu.memref_slice %arg4[%dma_wait3A_43, %mul3A_2, %dma_wait3A_48] : memref<64x512x2048xf32, #tpu.memory_space<hbm>> -> memref<1x16x2048xf32, #tpu.memory_space<hbm>>
    %dma_wait3A_50 = tpu.memref_squeeze %dma_wait3A_49 : memref<1x16x2048xf32, #tpu.memory_space<hbm>> -> memref<16x2048xf32, #tpu.memory_space<hbm>>
    %dma_wait3A_51 = arith.constant 0 : i32
    %dma_wait3A_52 = tpu.memref_slice %arg4[%dma_wait3A_43, %mul3A_2, %dma_wait3A_51] : memref<64x512x2048xf32, #tpu.memory_space<hbm>> -> memref<1x16x2048xf32, #tpu.memory_space<hbm>>
    %dma_wait3A_53 = tpu.memref_squeeze %dma_wait3A_52 : memref<1x16x2048xf32, #tpu.memory_space<hbm>> -> memref<16x2048xf32, #tpu.memory_space<hbm>>
    %dma_wait3A_54 = arith.constant 0 : i32
    %dma_wait3A_55 = arith.constant 0 : i32
    %dma_wait3A_56 = tpu.memref_slice %arg7[%dma_wait3A_42, %dma_wait3A_54, %dma_wait3A_55] : memref<2x16x2048xf32, #tpu.memory_space<vmem>> -> memref<1x16x2048xf32, #tpu.memory_space<vmem>>
    %dma_wait3A_57 = tpu.memref_squeeze %dma_wait3A_56 : memref<1x16x2048xf32, #tpu.memory_space<vmem>> -> memref<16x2048xf32, #tpu.memory_space<vmem>>
    tpu.wait_dma2 semaphore(%arg11 : memref<!tpu.dma_semaphore, #tpu.memory_space<semaphore_mem>>) src(%dma_wait3A_57 : memref<16x2048xf32, #tpu.memory_space<vmem>>) dst(%dma_wait3A_53 : memref<16x2048xf32, #tpu.memory_space<hbm>>)
    %dma_wait3A_58 = arith.constant 1 : i32
    %dma_wait3A_59 = arith.constant 63 : i32
    %dma_wait3A_60 = arith.constant 0 : i32
    %dma_wait3A_61 = arith.constant 0 : i32
    %dma_wait3A_62 = tpu.memref_slice %arg7[%dma_wait3A_58, %dma_wait3A_60, %dma_wait3A_61] : memref<2x16x2048xf32, #tpu.memory_space<vmem>> -> memref<1x16x2048xf32, #tpu.memory_space<vmem>>
    %dma_wait3A_63 = tpu.memref_squeeze %dma_wait3A_62 : memref<1x16x2048xf32, #tpu.memory_space<vmem>> -> memref<16x2048xf32, #tpu.memory_space<vmem>>
    %dma_wait3A_64 = arith.constant 0 : i32
    %dma_wait3A_65 = tpu.memref_slice %arg4[%dma_wait3A_59, %mul3A_2, %dma_wait3A_64] : memref<64x512x2048xf32, #tpu.memory_space<hbm>> -> memref<1x16x2048xf32, #tpu.memory_space<hbm>>
    %dma_wait3A_66 = tpu.memref_squeeze %dma_wait3A_65 : memref<1x16x2048xf32, #tpu.memory_space<hbm>> -> memref<16x2048xf32, #tpu.memory_space<hbm>>
    %dma_wait3A_67 = arith.constant 0 : i32
    %dma_wait3A_68 = tpu.memref_slice %arg4[%dma_wait3A_59, %mul3A_2, %dma_wait3A_67] : memref<64x512x2048xf32, #tpu.memory_space<hbm>> -> memref<1x16x2048xf32, #tpu.memory_space<hbm>>
    %dma_wait3A_69 = tpu.memref_squeeze %dma_wait3A_68 : memref<1x16x2048xf32, #tpu.memory_space<hbm>> -> memref<16x2048xf32, #tpu.memory_space<hbm>>
    %dma_wait3A_70 = arith.constant 0 : i32
    %dma_wait3A_71 = arith.constant 0 : i32
    %dma_wait3A_72 = tpu.memref_slice %arg7[%dma_wait3A_58, %dma_wait3A_70, %dma_wait3A_71] : memref<2x16x2048xf32, #tpu.memory_space<vmem>> -> memref<1x16x2048xf32, #tpu.memory_space<vmem>>
    %dma_wait3A_73 = tpu.memref_squeeze %dma_wait3A_72 : memref<1x16x2048xf32, #tpu.memory_space<vmem>> -> memref<16x2048xf32, #tpu.memory_space<vmem>>
    tpu.wait_dma2 semaphore(%arg12 : memref<!tpu.dma_semaphore, #tpu.memory_space<semaphore_mem>>) src(%dma_wait3A_73 : memref<16x2048xf32, #tpu.memory_space<vmem>>) dst(%dma_wait3A_69 : memref<16x2048xf32, #tpu.memory_space<hbm>>)
    return
  }
}

</mosaic_0001>

<sc_bundles>
// kernel: kernel.3.cloned.1.call-start
scs
__scs_entry_jumppad:
0x0: {  	(pc) =	sbr.rel $0x88, $3  }
0x1: {  	(tag) =	ssettag $0x0;
	lr =	simm.s32 $0x1  }
0x2: {  	[smem:$0x3F9F] =	sst lr;
	_ =	strace $0xD0000000  }
0x3: {  	_ = 	snop  }
0x4: {  	_ = 	snop  }
0x5: {  	_ = 	snop  }
0x6: {  	_ = 	snop  }
0x7: {  	_ = 	snop  }
__scs_overlays_trampoline_lowered:
0x8: {  	[smem:$0x3FAE] =	sst s0  }
0x9: {  	[smem:$0x3FAF] =	sst s1  }
0xa: {  	[smem:$0x3FB0] =	sst s2  }
0xb: {  	[smem:$0x3FB1] =	sst s3  }
0xc: {  	[smem:$0x3FB2] =	sst s4  }
0xd: {  	[smem:$0x3FB3] =	sst s5  }
0xe: {  	[smem:$0x3FB4] =	sst s6  }
0xf: {  	[smem:$0x3FB5] =	sst s7  }
0x10: {  	[smem:$0x3FB6] =	sst s8  }
0x11: {  	[smem:$0x3FB7] =	sst s9;
	s0 =	simm.s32 @!p0 $0x0  }
0x12: {  	s1 =	sld [smem:$0x3F9D];
	s0 =	simm.s32 @p0 $0x1  }
0x13: {  	[smem:$0x3FB8] =	sst s0;
	s0 =	simm.s32 @!p1 $0x0  }
0x14: {  	s2 =	sld [smem:$0x3F9C];
	s0 =	simm.s32 @p1 $0x1  }
0x15: {  	[smem:$0x3FB9] =	sst s0;
	s0 =	simm.s32 @!p2 $0x0  }
0x16: {  	s3 =	sld [smem:$0x3FDB];
	s0 =	simm.s32 @p2 $0x1  }
0x17: {  	s4 =	simm.s32 $0x1BF5;
	[smem:$0x3FBB] =	sst s0  }
0x18: {  	s0 =	sld [smem:$0x3F9E];
	_ =	swait.ge [sflag:s4], $0x0  }
0x19: {  	s7 =	sld [smem:$0x3F9F]  }
0x1a: {  	s8 =	sadd.s32 $0xFFFFE003, lr  }
0x1b: {  	s9 =	sadd.s32 $0xFFFFFEF7, lr;
	s5 =	simm.s32 $0xFFFFFFFF;
	p2 =	slt.u32 s8, $0xFFFFF086  }
0x1c: {  	p1 =	slt.u32 s9, $0xF7A;
	s5 =	simm.s32 @!p2 $0x0  }
0x1d: {  	s5 =	simm.s32 @p1 $0x1;
	p0 =	seq.s32 s7, s2  }
0x1e: {  	s7 =	smul.u32 @!p0 $0xF7A, s2;
	p2 =	seq.s32 @!p0 s5, $0x0  }
0x1f: {  	s9 =	smul.u32 $0xF7A, s1;
	s8 =	simm.s32 @!p0 $0x1BF5;
	p2 =	por !p2, p0  }
0x20: {  	[sflag:s8] =	ssyncset.s32 @!p0 $0xFFFFF086;
	s6 =	sadd.s32 @!p0 s3, s7;
	s7 =	simm.s32 @!p0 $0x108  }
0x21: {  	s3 =	sadd.s32 s3, s9;
	s6 =	sadd.s32 @!p0 $0x88, s6;
	s7 =	simm.s32 @p2 $0x1082  }
0x22: {  	[simem:s7], [sflag:s8] =	dma.local @!p0 [hbm:s6], $0xF7A  }
0x23: {  	s9 =	sor.u32 $0xD0000000, s2;
	s6 =	simm.s32 $0x108;
	_ =	swait.ge @!p0 [sflag:s8], $0x0  }
0x24: {  	s3 =	sadd.s32 $0x88, s3;
	s6 =	simm.s32 @!p1 $0x1082;
	[sflag:s4] =	ssyncset.s32 $0xFFFFF086  }
0x25: {  	[simem:s6], [sflag:s4] =	dma.local [hbm:s3], $0xF7A  }
0x26: {  	[smem:$0x3F9F] =	sst s1;
	(tag) =	ssettag s2;
	_ =	strace s9  }
0x27: {  	s1 =	sld [smem:$0x3FAF]  }
0x28: {  	s2 =	sld [smem:$0x3FB0]  }
0x29: {  	s4 =	sld [smem:$0x3FB2]  }
0x2a: {  	p0 =	seq.s32 s5, $0x0;
	s5 =	sld [smem:$0x3FB3]  }
0x2b: {  	s6 =	sld [smem:$0x3FB4]  }
0x2c: {  	s7 =	sld [smem:$0x3FB5]  }
0x2d: {  	s3 =	simm.s32 $0x108;
	s8 =	sld [smem:$0x3FB6]  }
0x2e: {  	s3 =	simm.s32 @!p0 $0x1082;
	s9 =	sld [smem:$0x3FB7]  }
0x2f: {  	lr =	sadd.s32 s0, s3;
	s0 =	sld [smem:$0x3FAE]  }
0x30: {  	s3 =	sld [smem:$0x3FB1]  }
0x31: {  	[smem:$0x3FBA] =	sst s10  }
0x32: {  	s10 =	sld [smem:$0x3FB8];
	_ =	sdelay $0x3  }
0x33: {  	p0 =	seq.s32 s10, $0x1;
	s10 =	sld [smem:$0x3FBA];
	_ =	sdelay $0x3  }
0x34: {  	[smem:$0x3FBA] =	sst s10  }
0x35: {  	s10 =	sld [smem:$0x3FB9];
	_ =	sdelay $0x3  }
0x36: {  	p1 =	seq.s32 s10, $0x1;
	s10 =	sld [smem:$0x3FBA];
	_ =	sdelay $0x3  }
0x37: {  	[smem:$0x3FBA] =	sst s10  }
0x38: {  	s10 =	sld [smem:$0x3FBB]  }
0x39: {  	_ = 	snop;
	(pc) =	sbr.ind lr, $3  }
0x3a: {  	_ = 	snop  }
0x3b: {  	_ = 	snop  }
0x3c: {  	p2 =	seq.s32 s10, $0x1;
	s10 =	sld [smem:$0x3FBA]  }
0x3d: {  	_ =	shalt  }
0x3e: {  	_ =	shalt  }
0x3f: {  	_ =	shalt  }
0x40: {  	_ =	shalt  }
0x41: {  	_ =	shalt  }
0x42: {  	_ =	shalt  }
0x43: {  	_ =	shalt  }
0x44: {  	_ =	shalt  }
0x45: {  	_ =	shalt  }
0x46: {  	_ =	shalt  }
0x47: {  	_ =	shalt  }
0x48: {  	_ =	shalt  }
0x49: {  	_ =	shalt  }
0x4a: {  	_ =	shalt  }
0x4b: {  	_ =	shalt  }
0x4c: {  	_ =	shalt  }
0x4d: {  	_ =	shalt  }
0x4e: {  	_ =	shalt  }
0x4f: {  	_ =	shalt  }
0x50: {  	_ =	shalt  }
0x51: {  	_ =	shalt  }
0x52: {  	_ =	shalt  }
0x53: {  	_ =	shalt  }
0x54: {  	_ =	shalt  }
0x55: {  	_ =	shalt  }
0x56: {  	_ =	shalt  }
0x57: {  	_ =	shalt  }
0x58: {  	_ =	shalt  }
0x59: {  	_ =	shalt  }
0x5a: {  	_ =	shalt  }
0x5b: {  	_ =	shalt  }
0x5c: {  	_ =	shalt  }
0x5d: {  	_ =	shalt  }
0x5e: {  	_ =	shalt  }
0x5f: {  	_ =	shalt  }
0x60: {  	_ =	shalt  }
0x61: {  	_ =	shalt  }
0x62: {  	_ =	shalt  }
0x63: {  	_ =	shalt  }
0x64: {  	_ =	shalt  }
0x65: {  	_ =	shalt  }
0x66: {  	_ =	shalt  }
0x67: {  	_ =	shalt  }
0x68: {  	_ =	shalt  }
0x69: {  	_ =	shalt  }
0x6a: {  	_ =	shalt  }
0x6b: {  	_ =	shalt  }
0x6c: {  	_ =	shalt  }
0x6d: {  	_ =	shalt  }
0x6e: {  	_ =	shalt  }
0x6f: {  	_ =	shalt  }
0x70: {  	_ =	shalt  }
0x71: {  	_ =	shalt  }
0x72: {  	_ =	shalt  }
0x73: {  	_ =	shalt  }
0x74: {  	_ =	shalt  }
0x75: {  	_ =	shalt  }
0x76: {  	_ =	shalt  }
0x77: {  	_ =	shalt  }
0x78: {  	_ =	shalt  }
0x79: {  	_ =	shalt  }
0x7a: {  	_ =	shalt  }
0x7b: {  	_ =	shalt  }
0x7c: {  	_ =	shalt  }
0x7d: {  	_ =	shalt  }
0x7e: {  	_ =	shalt  }
0x7f: {  	_ =	shalt  }
0x80: {  	_ =	shalt  }
0x81: {  	_ =	shalt  }
0x82: {  	_ =	shalt  }
0x83: {  	_ =	shalt  }
0x84: {  	_ =	shalt  }
0x85: {  	_ =	shalt  }
0x86: {  	_ =	shalt  }
0x87: {  	_ =	shalt  }
.Lfunc_end0:
.L_simem_size_0:
called_computation_lowered:
.L_overlay_start_0:
0x88: {  	s2 =	sld [smem:$0x3FD9]  }
0x89: {  	s3 =	sld [smem:$0x3FFE];
	_ =	sdelay $0x1  }
0x8a: {  	s1 =	srdreg.scid  }
0x8b: {  	s0 =	sand.u32 $0x1, s1  }
0x8c: {  	s18 =	sshll.u32 s0, $0xA;
	s2 =	sadd.s32 s3, s2  }
0x8d: {  	s2 =	sadd.s32 s2, s18  }
0x8e: {  	[smem:$0x3FC6] =	sst s2  }
0x8f: {  	_ = 	snop  }
0x90: {  	s2 =	sld [smem:$0x3FC9]  }
0x91: {  	s19 =	sld [smem:$0x3FC8]  }
0x92: {  	s4 =	sld [smem:$0x3FD0];
	(tm) =	ssettm $0x1  }
0x93: {  	s5 =	sld [smem:$0x3FFB];
	_ =	sdelay $0x3  }
0x94: {  	_ =	strace s5  }
0x95: {  	s5 =	sld [smem:$0x3FFC];
	_ =	sdelay $0x3  }
0x96: {  	_ =	strace s5  }
0x97: {  	s5 =	sld [smem:$0x3FFD];
	_ =	sdelay $0x3  }
0x98: {  	_ =	strace s5  }
0x99: {  	_ =	strace $0x8FFFFFFF  }
0x9a: {  	s20 =	sld [smem:$0x3FDB];
	_ =	sdelay $0x1  }
0x9b: {  	s6 =	simm.s32 $_scs_section_size  }
0x9c: {  	s7 =	simm.s32 $_size__tile_overlayer_lowered;
	s8 =	simm.s32 $_tile_overlayer_lowered  }
0x9d: {  	s23 =	simm.s32 $0x1BFF;
	s22 =	sshll.u32 s8, $0x1;
	s5 =	sadd.s32 s6, s20  }
0x9e: {  	s9 =	simm.s32 $0x0;
	s21 =	sshll.u32 s7, $0x1;
	s7 =	sadd.s32 s22, s5  }
0x9f: {  	[timem:s9], [sflag:s23] =	dma.local [hbm:s7], s21  }
0xa0: {  	_ =	swait.ge [sflag:s23], s21  }
0xa1: {  	s6 =	ssub.s32 $0x0, s21;
	[sflag:s23] =	ssyncset.done $0x0  }
0xa2: {  	[sflag:s23] =	ssyncadd.s32 s6;
	_ =	sdelay $0x1  }
0xa3: {  	s24 =	simm.s32 $0x1B8B  }
0xa4: {  	_ =	swait.ge [sflag:s24], $0x1  }
0xa5: {  	[sflag:s24] =	ssyncset.done $0x0  }
0xa6: {  	s25 =	simm.s32 $0x1B8E;
	[sflag:s24] =	ssyncadd.s32 $0xFFFFFFFF  }
0xa7: {  	s26 =	simm.s32 $execute0_lowered;
	[smem:$0x3FD2] =	sst s25  }
0xa8: {  	s6 =	sshll.u32 s26, $0x1;
	_ =	strace $0x80000046;
	[dreg:$0x1] =	wrdreg $0xFFFFFFFF  }
0xa9: {  	s28 =	simm.s32 $_size_execute0_lowered;
	s5 =	sadd.s32 s5, s6;
	[dreg:$0x0] =	wrdreg $0x0  }
0xaa: {  	s6 =	sshll.u32 s28, $0x1;
	[dreg:$0x2] =	wrdreg s5  }
0xab: {  	[dreg:$0x3] =	wrdreg s6  }
0xac: {  	[dreg:$0x4] =	wrdreg $0xC0  }
0xad: {  	_ =	task [dreg:s9], $0x5FFFF  }
0xae: {  	[dreg:$0x1] =	wrdreg $0xFFFFFFFF  }
0xaf: {  	[dreg:$0x0] =	wrdreg $0x60  }
0xb0: {  	[dreg:$0x2] =	wrdreg s2  }
0xb1: {  	[dreg:$0x3] =	wrdreg s19  }
0xb2: {  	[dreg:$0x4] =	wrdreg s4  }
0xb3: {  	[dreg:$0x5] =	wrdreg $0x9  }
0xb4: {  	_ =	task.clear_ibuf [dreg:s9], $0x6FFFF;
	_ =	strace $0x90000046  }
0xb5: {  	s29 =	simm.s32 $0x9;
	_ =	strace $0x80000048  }
0xb6: {  	_ =	swait.ge [sflag:s29], $0x1  }
0xb7: {  	[sflag:s29] =	ssyncadd.s32 $0xFFFFFFFF  }
0xb8: {  	_ =	strace $0x90000048  }
0xb9: {  	_ =	sfence  }
0xba: {  	s30 =	sld [smem:$0x0];
	_ =	sdelay $0x2  }
0xbb: {  	s31 =	sshll.u32 s1, $0xD;
	s1 =	sshrl.u32 s1, $0x2  }
0xbc: {  	s3 =	sand.u32 $0x4000, s31;
	s1 =	sadd.s32 s1, s30  }
0xbd: {  	s0 =	sor.u32 s3, s0;
	s1 =	sshll.u32 s1, $0x11  }
0xbe: {  	s0 =	sor.u32 s1, s0  }
0xbf: {  	s0 =	sadd.s32 $0x8F2B, s0  }
0xc0: {  	[sflag:s0] =	ssyncadd.remote.s32 $0x1  }
0xc1: {  	_ =	sfence.sel $0xFFFF  }
0xc2: {  	[dreg:$0x0] =	wrdreg $0xFFFFFFFF;
	(pc) =	sbr.abs _section_cstart, $3  }
0xc3: {  	[dreg:$0x1] =	wrdreg $0xFFFFFFFF  }
0xc4: {  	_ =	task.clear_ibuf [dreg:s9], $0x2FFFF;
	_ =	strace $0x9FFFFFFF  }
0xc5: {  	(tm) =	ssettm $0x7FFFFFFF  }
tec
execute0_lowered:
.L_overlay_start_1:
0x0: {  	(tag) =	ssettag $0x1  }
0x1: {  	s1 =	rddreg [dreg:$0x0]  }
0x2: {  	s0 =	rddreg [dreg:$0x1]  }
0x3: {  	s7 =	rddreg [dreg:$0x2];
	s4 =	simm.s32 $0x0  }
0x4: {  	[smem:$0x7FF] =	sst s4;
	s25 =	sadd.s32 $0x10, s1  }
0x5: {  	s28 =	sadd.s32 $0x80, s1;
	_ =	strace $0x80000047;
	[dreg:$0x4] =	wrdreg s25  }
0x6: {  	s29 =	sadd.s32 $0x100, s1;
	[dreg:$0x7] =	wrdreg s28  }
0x7: {  	s30 =	sadd.s32 $0x180, s1;
	[dreg:$0x8] =	wrdreg s29  }
0x8: {  	s31 =	sadd.s32 $0x200, s1;
	[dreg:$0x9] =	wrdreg s30  }
0x9: {  	s8 =	sadd.s32 $0x20000, s7;
	s7 =	sadd.s32 $0x400, s1;
	[dreg:$0xa] =	wrdreg s31  }
0xa: {  	s9 =	sadd.s32 $0x480, s1;
	[dreg:$0xe] =	wrdreg s7  }
0xb: {  	s10 =	sadd.s32 $0x500, s1;
	[dreg:$0xf] =	wrdreg s9  }
0xc: {  	s11 =	sadd.s32 $0x580, s1;
	[dreg:$0x10] =	wrdreg s10  }
0xd: {  	s12 =	sadd.s32 $0x600, s1;
	[dreg:$0x11] =	wrdreg s11  }
0xe: {  	s13 =	sadd.s32 $0x680, s1;
	[dreg:$0x12] =	wrdreg s12  }
0xf: {  	s14 =	sadd.s32 $0x700, s1;
	[dreg:$0x13] =	wrdreg s13  }
0x10: {  	s15 =	sadd.s32 $0x780, s1;
	[dreg:$0x14] =	wrdreg s14  }
0x11: {  	s16 =	sadd.s32 $0x90, s1;
	[dreg:$0x15] =	wrdreg s15  }
0x12: {  	s17 =	sadd.s32 $0x110, s1;
	[dreg:$0x16] =	wrdreg s16  }
0x13: {  	s18 =	sadd.s32 $0x190, s1;
	[dreg:$0x17] =	wrdreg s17  }
0x14: {  	s19 =	sadd.s32 $0x210, s1;
	[dreg:$0x18] =	wrdreg s18  }
0x15: {  	s2 =	srdreg.scid;
	s20 =	sadd.s32 $0x290, s1;
	[dreg:$0x19] =	wrdreg s19  }
0x16: {  	s3 =	stileid.u32;
	s21 =	sadd.s32 $0x310, s1;
	[dreg:$0x1a] =	wrdreg s20  }
0x17: {  	s2 =	sand.u32 $0x1, s2;
	s22 =	sadd.s32 $0x390, s1;
	[dreg:$0x1b] =	wrdreg s21  }
0x18: {  	s3 =	sshll.u32 s3, $0x10;
	s23 =	sadd.s32 $0x410, s1;
	[dreg:$0x1c] =	wrdreg s22  }
0x19: {  	s5 =	sshll.u32 s2, $0xF;
	s2 =	ssub.s32 $0x2, s2;
	[dreg:$0x1d] =	wrdreg s23  }
0x1a: {  	s25 =	sadd.s32 $0x510, s1;
	s28 =	sadd.s32 $0x610, s1;
	s29 =	sadd.s32 $0x690, s1  }
0x1b: {  	s30 =	sadd.s32 $0x710, s1;
	s31 =	sadd.s32 $0x790, s1;
	s7 =	simm.s32 $0x8480  }
0x1c: {  	s9 =	simm.s32 $0x8580;
	s10 =	simm.s32 $0x8680;
	s11 =	simm.s32 $0x8780  }
0x1d: {  	s12 =	simm.s32 $0x8880;
	s13 =	simm.s32 $0x8980;
	s14 =	simm.s32 $0x8A80  }
0x1e: {  	s15 =	simm.s32 $0x8B80;
	s16 =	simm.s32 $0x8C80;
	[dreg:$0x1f] =	wrdreg s25  }
0x1f: {  	s17 =	simm.s32 $0x8D80;
	s18 =	simm.s32 $0x8E80;
	[smem:$0x7FA] =	sst s28  }
0x20: {  	s19 =	simm.s32 $0x8F80;
	s20 =	simm.s32 $0x2;
	[smem:$0x7FB] =	sst s29  }
0x21: {  	s5 =	sor.u32 s5, s3;
	s24 =	sshrl.u32 s2, $0x1;
	[smem:$0x7FC] =	sst s30  }
0x22: {  	s3 =	sadd.s32 $0x300, s1;
	[smem:$0x7FD] =	sst s31;
	s6 =	sshrl.u32 s5, $0x3  }
0x23: {  	s2 =	ssub.s32 s2, s24;
	[dreg:$0xc] =	wrdreg s3;
	s24 =	sadd.s32 $0x490, s1  }
0x24: {  	s21 =	simm.s32 $0x9000;
	s0 =	sadd.s32 s0, s6;
	[dreg:$0x1e] =	wrdreg s24  }
.Ltmp0:
0x25: {  	s26 =	smax.u32 s2, $0x1;
	[dreg:$0x5] =	wrdreg s0;
	(pc) =	sbr.rel .LBB2_1-.Ltmp0, $4  }
0x26: {  	s22 =	simm.s32 $0x3;
	s2 =	sadd.s32 $0x280, s1;
	[dreg:$0x6] =	wrdreg s26  }
0x27: {  	s23 =	simm.s32 $0x5;
	s6 =	sadd.s32 $0x380, s1;
	[dreg:$0xb] =	wrdreg s2  }
0x28: {  	s24 =	simm.s32 $0x11000;
	[dreg:$0xd] =	wrdreg s6;
	s26 =	sadd.s32 $0x590, s1  }
0x29: {  	s6 =	simm.s32 $0x8380;
	s2 =	simm.s32 $0x0;
	[smem:$0x7F9] =	sst s26  }
.LBB2_12:
0x2a: {  	s0 =	simm.s32 $0x4  }
0x2b: {  	_ =	swait.ge [sflag:s0], $0x8000  }
0x2c: {  	[sflag:s0] =	ssyncset.done $0x0  }
0x2d: {  	[sflag:s0] =	ssyncadd.s32 $0xFFFF8000  }
0x2e: {  	_ =	swait.ge [sflag:s23], $0x8000  }
0x2f: {  	s2 =	sld [smem:$0x7F8];
	_ =	sdelay $0x2  }
0x30: {  	s31 =	rddreg [dreg:$0x6];
	s2 =	sadd.s32 $0x1, s2  }
0x31: {  	p0 =	sne.s32 s2, s31  }
.Ltmp1:
0x32: {  	_ = 	snop;
	(pc) =	sbr.rel @!p0 .LBB2_13-.Ltmp1, $3  }
0x33: {  	_ =	sdelay $0x1  }
0x34: {  	[sflag:s23] =	ssyncset.done $0x0  }
0x35: {  	[sflag:s23] =	ssyncadd.s32 $0xFFFF8000  }
.LBB2_1:
0x36: {  	[smem:$0x7F8] =	sst s2  }
0x37: {  	s0 =	simm.s32 $0x8000;
	s28 =	rddreg [dreg:$0x7]  }
0x38: {  	[tilespmem:s0], [sflag:$0x2] =	stream.linear.gather [hbm4b:s1+s4], $0x80, $0x38;
	[tilespmem:$0x19000] =	vst v63  }
0x39: {  	s29 =	simm.s32 $0x8100;
	s30 =	rddreg [dreg:$0x8]  }
0x3a: {  	[tilespmem:s29], [sflag:$0x2] =	stream.linear.gather [hbm4b:s28+s4], $0x80, $0x38;
	[tilespmem:$0x19000] =	vst v63  }
0x3b: {  	s31 =	simm.s32 $0x8200;
	s2 =	rddreg [dreg:$0x9]  }
0x3c: {  	[tilespmem:s31], [sflag:$0x2] =	stream.linear.gather [hbm4b:s30+s4], $0x80, $0x38;
	[tilespmem:$0x19000] =	vst v63  }
0x3d: {  	s3 =	simm.s32 $0x8300;
	s25 =	rddreg [dreg:$0xa]  }
0x3e: {  	[tilespmem:s3], [sflag:$0x2] =	stream.linear.gather [hbm4b:s2+s4], $0x80, $0x38;
	[tilespmem:$0x19000] =	vst v63  }
0x3f: {  	s26 =	simm.s32 $0x8400;
	s28 =	rddreg [dreg:$0xb]  }
0x40: {  	[tilespmem:s26], [sflag:$0x2] =	stream.linear.gather [hbm4b:s25+s4], $0x80, $0x38;
	[tilespmem:$0x19000] =	vst v63  }
0x41: {  	s29 =	simm.s32 $0x8500;
	s30 =	rddreg [dreg:$0xc]  }
0x42: {  	[tilespmem:s29], [sflag:$0x2] =	stream.linear.gather [hbm4b:s28+s4], $0x80, $0x38;
	[tilespmem:$0x19000] =	vst v63  }
0x43: {  	s31 =	simm.s32 $0x8600;
	s2 =	rddreg [dreg:$0xd]  }
0x44: {  	[tilespmem:s31], [sflag:$0x2] =	stream.linear.gather [hbm4b:s30+s4], $0x80, $0x38;
	[tilespmem:$0x19000] =	vst v63  }
0x45: {  	s3 =	simm.s32 $0x8700;
	s25 =	rddreg [dreg:$0xe]  }
0x46: {  	[tilespmem:s3], [sflag:$0x2] =	stream.linear.gather [hbm4b:s2+s4], $0x80, $0x38;
	[tilespmem:$0x19000] =	vst v63  }
0x47: {  	s26 =	simm.s32 $0x8800;
	s28 =	rddreg [dreg:$0xf]  }
0x48: {  	[tilespmem:s26], [sflag:$0x2] =	stream.linear.gather [hbm4b:s25+s4], $0x80, $0x38;
	[tilespmem:$0x19000] =	vst v63  }
0x49: {  	s29 =	simm.s32 $0x8900;
	s30 =	rddreg [dreg:$0x10]  }
0x4a: {  	[tilespmem:s29], [sflag:$0x2] =	stream.linear.gather [hbm4b:s28+s4], $0x80, $0x38;
	[tilespmem:$0x19000] =	vst v63  }
0x4b: {  	s31 =	simm.s32 $0x8A00;
	s2 =	rddreg [dreg:$0x11]  }
0x4c: {  	[tilespmem:s31], [sflag:$0x2] =	stream.linear.gather [hbm4b:s30+s4], $0x80, $0x38;
	[tilespmem:$0x19000] =	vst v63  }
0x4d: {  	s3 =	simm.s32 $0x8B00;
	s25 =	rddreg [dreg:$0x12]  }
0x4e: {  	[tilespmem:s3], [sflag:$0x2] =	stream.linear.gather [hbm4b:s2+s4], $0x80, $0x38;
	[tilespmem:$0x19000] =	vst v63  }
0x4f: {  	s26 =	simm.s32 $0x8C00;
	s28 =	rddreg [dreg:$0x13]  }
0x50: {  	[tilespmem:s26], [sflag:$0x2] =	stream.linear.gather [hbm4b:s25+s4], $0x80, $0x38;
	[tilespmem:$0x19000] =	vst v63  }
0x51: {  	s29 =	simm.s32 $0x8D00;
	s30 =	rddreg [dreg:$0x14]  }
0x52: {  	[tilespmem:s29], [sflag:$0x2] =	stream.linear.gather [hbm4b:s28+s4], $0x80, $0x38;
	[tilespmem:$0x19000] =	vst v63  }
0x53: {  	s31 =	simm.s32 $0x8E00;
	s2 =	rddreg [dreg:$0x15]  }
0x54: {  	[tilespmem:s31], [sflag:$0x2] =	stream.linear.gather [hbm4b:s30+s4], $0x80, $0x38;
	[tilespmem:$0x19000] =	vst v63  }
0x55: {  	s3 =	simm.s32 $0x8F00;
	s25 =	rddreg [dreg:$0x4]  }
0x56: {  	[tilespmem:s3], [sflag:$0x2] =	stream.linear.gather [hbm4b:s2+s4], $0x80, $0x38;
	[tilespmem:$0x19000] =	vst v63  }
0x57: {  	s26 =	simm.s32 $0x8080;
	s28 =	rddreg [dreg:$0x16]  }
0x58: {  	[tilespmem:s26], [sflag:$0x3] =	stream.linear.gather [hbm4b:s25+s4], $0x80, $0x38;
	[tilespmem:$0x19000] =	vst v63  }
0x59: {  	s29 =	simm.s32 $0x8180;
	s30 =	rddreg [dreg:$0x17]  }
0x5a: {  	[tilespmem:s29], [sflag:$0x3] =	stream.linear.gather [hbm4b:s28+s4], $0x80, $0x38;
	[tilespmem:$0x19000] =	vst v63  }
0x5b: {  	s31 =	simm.s32 $0x8280;
	s3 =	rddreg [dreg:$0x18]  }
0x5c: {  	[tilespmem:s31], [sflag:$0x3] =	stream.linear.gather [hbm4b:s30+s4], $0x80, $0x38;
	[tilespmem:$0x19000] =	vst v63  }
0x5d: {  	s2 =	rddreg [dreg:$0x1f]  }
0x5e: {  	[tilespmem:s6], [sflag:$0x3] =	stream.linear.gather [hbm4b:s3+s4], $0x80, $0x38;
	[tilespmem:$0x19000] =	vst v63  }
0x5f: {  	s25 =	rddreg [dreg:$0x19]  }
0x60: {  	[tilespmem:s7], [sflag:$0x3] =	stream.linear.gather [hbm4b:s25+s4], $0x80, $0x38;
	[tilespmem:$0x19000] =	vst v63  }
0x61: {  	s26 =	rddreg [dreg:$0x1a]  }
0x62: {  	[tilespmem:s9], [sflag:$0x3] =	stream.linear.gather [hbm4b:s26+s4], $0x80, $0x38;
	[tilespmem:$0x19000] =	vst v63  }
0x63: {  	s28 =	rddreg [dreg:$0x1b]  }
0x64: {  	[tilespmem:s10], [sflag:$0x3] =	stream.linear.gather [hbm4b:s28+s4], $0x80, $0x38;
	[tilespmem:$0x19000] =	vst v63  }
0x65: {  	s29 =	rddreg [dreg:$0x1c]  }
0x66: {  	[tilespmem:s11], [sflag:$0x3] =	stream.linear.gather [hbm4b:s29+s4], $0x80, $0x38;
	[tilespmem:$0x19000] =	vst v63  }
0x67: {  	s30 =	rddreg [dreg:$0x1d]  }
0x68: {  	[tilespmem:s12], [sflag:$0x3] =	stream.linear.gather [hbm4b:s30+s4], $0x80, $0x38;
	[tilespmem:$0x19000] =	vst v63  }
0x69: {  	s31 =	rddreg [dreg:$0x1e]  }
0x6a: {  	[tilespmem:s13], [sflag:$0x3] =	stream.linear.gather [hbm4b:s31+s4], $0x80, $0x38;
	[tilespmem:$0x19000] =	vst v63  }
0x6b: {  	s3 =	sld [smem:$0x7F9]  }
0x6c: {  	[tilespmem:s14], [sflag:$0x3] =	stream.linear.gather [hbm4b:s2+s4], $0x80, $0x38;
	[tilespmem:$0x19000] =	vst v63  }
0x6d: {  	s25 =	sld [smem:$0x7FA]  }
0x6e: {  	[tilespmem:s15], [sflag:$0x3] =	stream.linear.gather [hbm4b:s3+s4], $0x80, $0x38;
	[tilespmem:$0x19000] =	vst v63  }
0x6f: {  	s26 =	sld [smem:$0x7FB]  }
0x70: {  	[tilespmem:s16], [sflag:$0x3] =	stream.linear.gather [hbm4b:s25+s4], $0x80, $0x38;
	[tilespmem:$0x19000] =	vst v63  }
0x71: {  	s28 =	sld [smem:$0x7FC]  }
0x72: {  	[tilespmem:s17], [sflag:$0x3] =	stream.linear.gather [hbm4b:s26+s4], $0x80, $0x38;
	[tilespmem:$0x19000] =	vst v63  }
0x73: {  	s29 =	sld [smem:$0x7FD]  }
0x74: {  	[tilespmem:s18], [sflag:$0x3] =	stream.linear.gather [hbm4b:s28+s4], $0x80, $0x38;
	[tilespmem:$0x19000] =	vst v63  }
0x75: {  	_ = 	snop  }
0x76: {  	[tilespmem:s19], [sflag:$0x3] =	stream.linear.gather [hbm4b:s29+s4], $0x80, $0x38;
	[tilespmem:$0x19000] =	vst v63  }
0x77: {  	s30 =	rddreg [dreg:$0x5];
	s31 =	simm.s32 $0x1  }
0x78: {  	[tilespmem:s4], [sflag:$0x1] =	stream.linear.gather [hbm4b:s30+s4], $0x8000, $0x38;
	[tilespmem:$0x19000] =	vst v63  }
0x79: {  	_ =	swait.ge [sflag:s31], $0x8000  }
0x7a: {  	[sflag:s31] =	ssyncset.done $0x0  }
0x7b: {  	s25 =	simm.s32 $0x0;
	[sflag:s31] =	ssyncadd.s32 $0xFFFF8000  }
.LBB2_2:
0x7c: {  	_ =	swait.ge [sflag:s20], $0x800  }
0x7d: {  	p0 =	seq.s32 s25, $0x0;
	[sflag:s20] =	ssyncset.done $0x0  }
0x7e: {  	s0 =	simm.s32 @!p0 $0x4;
	[sflag:s20] =	ssyncadd.s32 $0xFFFFF800  }
0x7f: {  	s2 =	simm.s32 $0x0;
	_ =	swait.ge @!p0 [sflag:s0], $0x8000  }
0x80: {  	s3 =	sand.u32 $0x70, s2;
	s2 =	sand.u32 $0x3C00, s2;
	[sflag:s0] =	ssyncset.done @!p0 $0x0  }
0x81: {  	s28 =	sor.u32 s3, s2;
	[sflag:s0] =	ssyncadd.s32 @!p0 $0xFFFF8000  }
0x82: {  	v0 =	vld [tilespmem:s28+$0x0]  }
0x83: {  	s2 =	sshrl.u32 s2, $0x2;
	v1 =	vld [tilespmem:s28+$0x80]  }
0x84: {  	s0 =	sor.u32 s3, s2;
	v2 =	vld [tilespmem:s28+$0x100]  }
0x85: {  	v9 =	vld [tilespmem:s0+$0x8000]  }
0x86: {  	v3 =	vld [tilespmem:s28+$0x180]  }
0x87: {  	v4 =	vld [tilespmem:s28+$0x200]  }
0x88: {  	v5 =	vld [tilespmem:s28+$0x280]  }
0x89: {  	v6 =	vld [tilespmem:s28+$0x300]  }
0x8a: {  	v7 =	vld [tilespmem:s28+$0x380];
	v0 =	vadd.f32 v0, v9  }
0x8b: {  	v8 =	vld [tilespmem:s28+$0x4000];
	v1 =	vadd.f32 v1, v9  }
0x8c: {  	v10 =	vld [tilespmem:s28+$0x4080];
	[tilespmem:s28+$0x9000] =	vst v0;
	v0 =	vadd.f32 v2, v9  }
0x8d: {  	v11 =	vld [tilespmem:s28+$0x4100];
	v2 =	vadd.f32 v3, v9;
	[tilespmem:s28+$0x9080] =	vst v1  }
0x8e: {  	v12 =	vld [tilespmem:s28+$0x4180];
	v1 =	vadd.f32 v4, v9;
	[tilespmem:s28+$0x9100] =	vst v0  }
0x8f: {  	v13 =	vld [tilespmem:s28+$0x4200];
	v0 =	vadd.f32 v5, v9;
	[tilespmem:s28+$0x9180] =	vst v2  }
0x90: {  	s26 =	simm.s32 $0x80;
	s29 =	simm.s32 $0x10;
	v14 =	vld [tilespmem:s28+$0x4280];
	v2 =	vadd.f32 v6, v9;
	[tilespmem:s28+$0x9200] =	vst v1  }
0x91: {  	s31 =	sand.u32 $0x70, s29;
	v15 =	vld [tilespmem:s28+$0x4300];
	s0 =	sand.u32 $0x3C00, s26;
	v1 =	vadd.f32 v7, v9;
	[tilespmem:s28+$0x9280] =	vst v0  }
0x92: {  	v16 =	vld [tilespmem:s28+$0x4380];
	s30 =	sor.u32 s31, s0;
	[tilespmem:s28+$0x9300] =	vst v2;
	v2 =	vadd.f32 v8, v9  }
0x93: {  	v3 =	vadd.f32 v10, v9;
	v0 =	vld [tilespmem:s30+$0x0];
	[tilespmem:s28+$0x9380] =	vst v1  }
0x94: {  	v4 =	vadd.f32 v11, v9;
	v1 =	vld [tilespmem:s30+$0x80];
	[tilespmem:s28+$0xD000] =	vst v2  }
0x95: {  	v5 =	vadd.f32 v12, v9;
	v2 =	vld [tilespmem:s30+$0x100];
	[tilespmem:s28+$0xD080] =	vst v3  }
0x96: {  	v6 =	vadd.f32 v13, v9;
	v3 =	vld [tilespmem:s30+$0x180];
	[tilespmem:s28+$0xD100] =	vst v4  }
0x97: {  	v10 =	vadd.f32 v14, v9;
	v4 =	vld [tilespmem:s30+$0x200];
	[tilespmem:s28+$0xD180] =	vst v5  }
0x98: {  	v8 =	vadd.f32 v15, v9;
	v5 =	vld [tilespmem:s30+$0x280];
	[tilespmem:s28+$0xD200] =	vst v6  }
0x99: {  	s3 =	simm.s32 $0x100;
	s26 =	sshll.u32 s25, $0x1;
	v7 =	vadd.f32 v16, v9;
	v6 =	vld [tilespmem:s30+$0x300];
	[tilespmem:s28+$0xD280] =	vst v10  }
.LBB2_3:
0x9a: {  	p1 =	sne.s32 s3, $0x3F80;
	s0 =	sshrl.u32 s0, $0x2;
	v9 =	vld [tilespmem:s30+$0x380];
	[tilespmem:s28+$0xD300] =	vst v8  }
0x9b: {  	s0 =	sor.u32 s31, s0;
	v8 =	vld [tilespmem:s30+$0x4000];
	[tilespmem:s28+$0xD380] =	vst v7;
	s28 =	smov.u32 s30  }
0x9c: {  	v7 =	vld [tilespmem:s0+$0x8000]  }
0x9d: {  	v10 =	vld [tilespmem:s28+$0x4080]  }
0x9e: {  	v11 =	vld [tilespmem:s28+$0x4100]  }
0x9f: {  	v12 =	vld [tilespmem:s28+$0x4180]  }
0xa0: {  	v13 =	vld [tilespmem:s28+$0x4200]  }
0xa1: {  	v0 =	vadd.f32 v0, v7;
	v1 =	vadd.f32 v1, v7;
	v14 =	vld [tilespmem:s28+$0x4280]  }
0xa2: {  	v2 =	vadd.f32 v2, v7;
	v3 =	vadd.f32 v3, v7;
	v15 =	vld [tilespmem:s28+$0x4300]  }
0xa3: {  	[tilespmem:s28+$0x9000] =	vst v0;
	v0 =	vadd.f32 v4, v7;
	v4 =	vadd.f32 v5, v7;
	v5 =	vld [tilespmem:s28+$0x4380]  }
0xa4: {  	[tilespmem:s28+$0x9080] =	vst v1;
	v1 =	vadd.f32 v6, v7;
	v6 =	vadd.f32 v9, v7  }
0xa5: {  	v9 =	vadd.f32 v10, v7;
	[tilespmem:s28+$0x9100] =	vst v2;
	v2 =	vadd.f32 v8, v7  }
0xa6: {  	v10 =	vadd.f32 v11, v7;
	v11 =	vadd.f32 v12, v7;
	[tilespmem:s28+$0x9180] =	vst v3  }
0xa7: {  	s29 =	sadd.s32 $0x10, s29;
	v12 =	vadd.f32 v13, v7;
	v13 =	vadd.f32 v14, v7;
	[tilespmem:s28+$0x9200] =	vst v0  }
0xa8: {  	s31 =	sand.u32 $0x70, s29;
	s0 =	sand.u32 $0x3C00, s3;
	v8 =	vadd.f32 v15, v7;
	[tilespmem:s28+$0x9280] =	vst v4;
	v7 =	vadd.f32 v5, v7  }
0xa9: {  	s30 =	sor.u32 s31, s0;
	[tilespmem:s28+$0x9300] =	vst v1  }
0xaa: {  	v0 =	vld [tilespmem:s30+$0x0];
	[tilespmem:s28+$0x9380] =	vst v6  }
0xab: {  	v1 =	vld [tilespmem:s30+$0x80];
	[tilespmem:s28+$0xD000] =	vst v2  }
.Ltmp2:
0xac: {  	v2 =	vld [tilespmem:s30+$0x100];
	[tilespmem:s28+$0xD080] =	vst v9;
	(pc) =	sbr.rel @p1 .LBB2_3-.Ltmp2, $4  }
0xad: {  	v3 =	vld [tilespmem:s30+$0x180];
	[tilespmem:s28+$0xD100] =	vst v10  }
0xae: {  	v4 =	vld [tilespmem:s30+$0x200];
	[tilespmem:s28+$0xD180] =	vst v11  }
0xaf: {  	v5 =	vld [tilespmem:s30+$0x280];
	[tilespmem:s28+$0xD200] =	vst v12  }
0xb0: {  	s3 =	sadd.s32 $0x80, s3;
	v6 =	vld [tilespmem:s30+$0x300];
	[tilespmem:s28+$0xD280] =	vst v13  }
0xb1: {  	v9 =	vld [tilespmem:s30+$0x380];
	[tilespmem:s28+$0xD300] =	vst v8;
	s0 =	sshrl.u32 s0, $0x2  }
0xb2: {  	v8 =	vld [tilespmem:s30+$0x4000];
	s0 =	sor.u32 s31, s0;
	[tilespmem:s28+$0xD380] =	vst v7  }
0xb3: {  	v7 =	vld [tilespmem:s0+$0x8000];
	_ =	sdelay $0x4  }
0xb4: {  	v0 =	vadd.f32 v0, v7  }
0xb5: {  	v1 =	vadd.f32 v1, v7  }
0xb6: {  	v51 =	vadd.f32 v2, v7;
	[tilespmem:s30+$0x9000] =	vst v0  }
0xb7: {  	v3 =	vadd.f32 v3, v7;
	[tilespmem:s30+$0x9080] =	vst v1  }
0xb8: {  	v10 =	vld [tilespmem:s30+$0x4080];
	v53 =	vadd.f32 v4, v7;
	[tilespmem:s30+$0x9100] =	vst v51  }
0xb9: {  	v11 =	vld [tilespmem:s30+$0x4100];
	v54 =	vadd.f32 v5, v7;
	[tilespmem:s30+$0x9180] =	vst v3  }
0xba: {  	v12 =	vld [tilespmem:s30+$0x4180];
	v55 =	vadd.f32 v6, v7;
	[tilespmem:s30+$0x9200] =	vst v53  }
0xbb: {  	v13 =	vld [tilespmem:s30+$0x4200];
	v56 =	vadd.f32 v9, v7;
	[tilespmem:s30+$0x9280] =	vst v54  }
0xbc: {  	v14 =	vld [tilespmem:s30+$0x4280];
	v57 =	vadd.f32 v8, v7;
	[tilespmem:s30+$0x9300] =	vst v55  }
0xbd: {  	v15 =	vld [tilespmem:s30+$0x4300];
	v58 =	vadd.f32 v10, v7;
	[tilespmem:s30+$0x9380] =	vst v56  }
0xbe: {  	v52 =	vld [tilespmem:s30+$0x4380];
	v59 =	vadd.f32 v11, v7;
	[tilespmem:s30+$0xD000] =	vst v57  }
0xbf: {  	v60 =	vadd.f32 v12, v7;
	[tilespmem:s30+$0xD080] =	vst v58  }
0xc0: {  	v61 =	vadd.f32 v13, v7;
	[tilespmem:s30+$0xD100] =	vst v59  }
0xc1: {  	p1 =	sne.s32 s25, $0x1F;
	v62 =	vadd.f32 v14, v7;
	[tilespmem:s30+$0xD180] =	vst v60  }
.Ltmp3:
0xc2: {  	s29 =	sshll.u32 s25, $0x15;
	v63 =	vadd.f32 v15, v7;
	[tilespmem:s30+$0xD200] =	vst v61;
	(pc) =	sbr.rel @p1 .LBB2_6-.Ltmp3, $4  }
0xc3: {  	s0 =	sor.u32 s5, s29;
	v2 =	vadd.f32 v52, v7;
	[tilespmem:s30+$0xD280] =	vst v62  }
0xc4: {  	s31 =	rddreg [dreg:$0x2];
	s28 =	sshrl.u32 s0, $0x3;
	[tilespmem:s30+$0xD300] =	vst v63  }
0xc5: {  	s0 =	sadd.s32 s31, s28;
	[tilespmem:s30+$0xD380] =	vst v2  }
0xc6: {  	[hbm4b:s0+s4] =	stream.linear.scatter [tilespmem:s21], [sflag:$0x4], $0x8000, $0x38;
	[tilespmem:$0x19000] =	vst v63  }
.Ltmp4:
0xc7: {  	(pc) =	sbr.rel .LBB2_7-.Ltmp4, $4  }
0xc8: {  	_ = 	snop  }
0xc9: {  	_ =	swait.ge [sflag:s22], $0x800  }
0xca: {  	[sflag:s22] =	ssyncset.done $0x0  }
0xcb: {  	[sflag:s22] =	ssyncadd.s32 $0xFFFFF800  }
.LBB2_6:
0xcc: {  	s0 =	sadd.s32 $0x2, s26  }
0xcd: {  	s2 =	sshll.u32 s0, $0x4  }
0xce: {  	s0 =	sshll.u32 s0, $0x8;
	s2 =	sand.u32 $0x60, s2  }
0xcf: {  	s0 =	sand.u32 $0x7800, s0;
	s2 =	sadd.s32 s1, s2  }
0xd0: {  	s30 =	simm.s32 $0x8000;
	s0 =	sadd.s32 s0, s2  }
0xd1: {  	[tilespmem:s30], [sflag:$0x2] =	stream.linear.gather [hbm4b:s0+s4], $0x80, $0x38;
	[tilespmem:$0x19000] =	vst v63  }
0xd2: {  	s3 =	simm.s32 $0x8100;
	s31 =	sadd.s32 $0x80, s0  }
0xd3: {  	[tilespmem:s3], [sflag:$0x2] =	stream.linear.gather [hbm4b:s31+s4], $0x80, $0x38;
	[tilespmem:$0x19000] =	vst v63  }
0xd4: {  	s29 =	simm.s32 $0x8200;
	s3 =	sadd.s32 $0x100, s0  }
0xd5: {  	[tilespmem:s29], [sflag:$0x2] =	stream.linear.gather [hbm4b:s3+s4], $0x80, $0x38;
	[tilespmem:$0x19000] =	vst v63  }
0xd6: {  	s30 =	sadd.s32 $0x180, s0;
	s31 =	simm.s32 $0x8300  }
0xd7: {  	[tilespmem:s31], [sflag:$0x2] =	stream.linear.gather [hbm4b:s30+s4], $0x80, $0x38;
	[tilespmem:$0x19000] =	vst v63  }
0xd8: {  	s3 =	sadd.s32 $0x200, s0;
	s29 =	simm.s32 $0x8400  }
0xd9: {  	[tilespmem:s29], [sflag:$0x2] =	stream.linear.gather [hbm4b:s3+s4], $0x80, $0x38;
	[tilespmem:$0x19000] =	vst v63  }
0xda: {  	s30 =	sadd.s32 $0x280, s0;
	s31 =	simm.s32 $0x8500  }
0xdb: {  	[tilespmem:s31], [sflag:$0x2] =	stream.linear.gather [hbm4b:s30+s4], $0x80, $0x38;
	[tilespmem:$0x19000] =	vst v63  }
0xdc: {  	s3 =	sadd.s32 $0x300, s0;
	s29 =	simm.s32 $0x8600  }
0xdd: {  	[tilespmem:s29], [sflag:$0x2] =	stream.linear.gather [hbm4b:s3+s4], $0x80, $0x38;
	[tilespmem:$0x19000] =	vst v63  }
0xde: {  	s30 =	sadd.s32 $0x380, s0;
	s31 =	simm.s32 $0x8700  }
0xdf: {  	[tilespmem:s31], [sflag:$0x2] =	stream.linear.gather [hbm4b:s30+s4], $0x80, $0x38;
	[tilespmem:$0x19000] =	vst v63  }
0xe0: {  	s3 =	sadd.s32 $0x400, s0;
	s29 =	simm.s32 $0x8800  }
0xe1: {  	[tilespmem:s29], [sflag:$0x2] =	stream.linear.gather [hbm4b:s3+s4], $0x80, $0x38;
	[tilespmem:$0x19000] =	vst v63  }
0xe2: {  	s30 =	sadd.s32 $0x480, s0;
	s31 =	simm.s32 $0x8900  }
0xe3: {  	[tilespmem:s31], [sflag:$0x2] =	stream.linear.gather [hbm4b:s30+s4], $0x80, $0x38;
	[tilespmem:$0x19000] =	vst v63  }
0xe4: {  	s3 =	sadd.s32 $0x500, s0;
	s29 =	simm.s32 $0x8A00  }
0xe5: {  	[tilespmem:s29], [sflag:$0x2] =	stream.linear.gather [hbm4b:s3+s4], $0x80, $0x38;
	[tilespmem:$0x19000] =	vst v63  }
0xe6: {  	s30 =	sadd.s32 $0x580, s0;
	s31 =	simm.s32 $0x8B00  }
0xe7: {  	[tilespmem:s31], [sflag:$0x2] =	stream.linear.gather [hbm4b:s30+s4], $0x80, $0x38;
	[tilespmem:$0x19000] =	vst v63  }
0xe8: {  	s3 =	sadd.s32 $0x600, s0;
	s29 =	simm.s32 $0x8C00  }
0xe9: {  	[tilespmem:s29], [sflag:$0x2] =	stream.linear.gather [hbm4b:s3+s4], $0x80, $0x38;
	[tilespmem:$0x19000] =	vst v63  }
0xea: {  	s30 =	sadd.s32 $0x680, s0;
	s31 =	simm.s32 $0x8D00  }
0xeb: {  	[tilespmem:s31], [sflag:$0x2] =	stream.linear.gather [hbm4b:s30+s4], $0x80, $0x38;
	[tilespmem:$0x19000] =	vst v63  }
0xec: {  	s29 =	sadd.s32 $0x700, s0;
	s30 =	simm.s32 $0x8E00  }
0xed: {  	[tilespmem:s30], [sflag:$0x2] =	stream.linear.gather [hbm4b:s29+s4], $0x80, $0x38;
	[tilespmem:$0x19000] =	vst v63  }
.Ltmp5:
0xee: {  	s0 =	sadd.s32 $0x780, s0;
	s31 =	simm.s32 $0x8F00;
	(pc) =	sbr.rel @p0 .LBB2_8-.Ltmp5, $4  }
0xef: {  	[tilespmem:s31], [sflag:$0x2] =	stream.linear.gather [hbm4b:s0+s4], $0x80, $0x38;
	[tilespmem:$0x19000] =	vst v63  }
0xf0: {  	_ =	swait.ge [sflag:s22], $0x800  }
0xf1: {  	[sflag:s22] =	ssyncset.done $0x0  }
0xf2: {  	[sflag:s22] =	ssyncadd.s32 $0xFFFFF800  }
.LBB2_7:
0xf3: {  	_ =	swait.ge [sflag:s23], $0x8000  }
0xf4: {  	[sflag:s23] =	ssyncset.done $0x0  }
0xf5: {  	[sflag:s23] =	ssyncadd.s32 $0xFFFF8000  }
.LBB2_8:
0xf6: {  	s0 =	simm.s32 $0x0  }
0xf7: {  	s2 =	sand.u32 $0x70, s0;
	s0 =	sand.u32 $0x3C00, s0  }
0xf8: {  	s29 =	sor.u32 s2, s0  }
0xf9: {  	v0 =	vld [tilespmem:s29+$0x0]  }
0xfa: {  	s0 =	sshrl.u32 s0, $0x2;
	v1 =	vld [tilespmem:s29+$0x80]  }
0xfb: {  	v2 =	vld [tilespmem:s29+$0x100];
	s0 =	sor.u32 s2, s0  }
0xfc: {  	v9 =	vld [tilespmem:s0+$0x8080]  }
0xfd: {  	v3 =	vld [tilespmem:s29+$0x180]  }
0xfe: {  	v4 =	vld [tilespmem:s29+$0x200]  }
0xff: {  	v5 =	vld [tilespmem:s29+$0x280]  }
0x100: {  	v6 =	vld [tilespmem:s29+$0x300]  }
0x101: {  	v7 =	vld [tilespmem:s29+$0x380];
	v0 =	vadd.f32 v0, v9  }
0x102: {  	v8 =	vld [tilespmem:s29+$0x4000];
	v1 =	vadd.f32 v1, v9  }
0x103: {  	v10 =	vld [tilespmem:s29+$0x4080];
	[tilespmem:s29+$0x11000] =	vst v0;
	v0 =	vadd.f32 v2, v9  }
0x104: {  	v11 =	vld [tilespmem:s29+$0x4100];
	v2 =	vadd.f32 v3, v9;
	[tilespmem:s29+$0x11080] =	vst v1  }
0x105: {  	v12 =	vld [tilespmem:s29+$0x4180];
	v1 =	vadd.f32 v4, v9;
	[tilespmem:s29+$0x11100] =	vst v0  }
0x106: {  	v13 =	vld [tilespmem:s29+$0x4200];
	v0 =	vadd.f32 v5, v9;
	[tilespmem:s29+$0x11180] =	vst v2  }
0x107: {  	s3 =	simm.s32 $0x80;
	s30 =	simm.s32 $0x10;
	v14 =	vld [tilespmem:s29+$0x4280];
	v2 =	vadd.f32 v6, v9;
	[tilespmem:s29+$0x11200] =	vst v1  }
0x108: {  	v15 =	vld [tilespmem:s29+$0x4300];
	s2 =	sand.u32 $0x3C00, s3;
	s0 =	sand.u32 $0x70, s30;
	v1 =	vadd.f32 v7, v9;
	[tilespmem:s29+$0x11280] =	vst v0  }
0x109: {  	v16 =	vld [tilespmem:s29+$0x4380];
	s3 =	sor.u32 s0, s2;
	[tilespmem:s29+$0x11300] =	vst v2;
	v2 =	vadd.f32 v8, v9  }
0x10a: {  	v3 =	vadd.f32 v10, v9;
	v0 =	vld [tilespmem:s3+$0x0];
	[tilespmem:s29+$0x11380] =	vst v1  }
0x10b: {  	v4 =	vadd.f32 v11, v9;
	v1 =	vld [tilespmem:s3+$0x80];
	[tilespmem:s29+$0x15000] =	vst v2  }
0x10c: {  	v5 =	vadd.f32 v12, v9;
	v2 =	vld [tilespmem:s3+$0x100];
	[tilespmem:s29+$0x15080] =	vst v3  }
0x10d: {  	v6 =	vadd.f32 v13, v9;
	v3 =	vld [tilespmem:s3+$0x180];
	[tilespmem:s29+$0x15100] =	vst v4  }
0x10e: {  	v10 =	vadd.f32 v14, v9;
	v4 =	vld [tilespmem:s3+$0x200];
	[tilespmem:s29+$0x15180] =	vst v5  }
0x10f: {  	v8 =	vadd.f32 v15, v9;
	v5 =	vld [tilespmem:s3+$0x280];
	[tilespmem:s29+$0x15200] =	vst v6  }
0x110: {  	s31 =	simm.s32 $0x100;
	v7 =	vadd.f32 v16, v9;
	v6 =	vld [tilespmem:s3+$0x300];
	[tilespmem:s29+$0x15280] =	vst v10  }
.LBB2_9:
0x111: {  	p0 =	sne.s32 s31, $0x3F80;
	s2 =	sshrl.u32 s2, $0x2;
	v9 =	vld [tilespmem:s3+$0x380];
	[tilespmem:s29+$0x15300] =	vst v8  }
0x112: {  	s0 =	sor.u32 s0, s2;
	v8 =	vld [tilespmem:s3+$0x4000];
	[tilespmem:s29+$0x15380] =	vst v7;
	s29 =	smov.u32 s3  }
0x113: {  	v7 =	vld [tilespmem:s0+$0x8080]  }
0x114: {  	v10 =	vld [tilespmem:s29+$0x4080]  }
0x115: {  	v11 =	vld [tilespmem:s29+$0x4100]  }
0x116: {  	v12 =	vld [tilespmem:s29+$0x4180]  }
0x117: {  	v13 =	vld [tilespmem:s29+$0x4200]  }
0x118: {  	v0 =	vadd.f32 v0, v7;
	v1 =	vadd.f32 v1, v7;
	v14 =	vld [tilespmem:s29+$0x4280]  }
0x119: {  	v2 =	vadd.f32 v2, v7;
	v3 =	vadd.f32 v3, v7;
	v15 =	vld [tilespmem:s29+$0x4300]  }
0x11a: {  	[tilespmem:s29+$0x11000] =	vst v0;
	v0 =	vadd.f32 v4, v7;
	v4 =	vadd.f32 v5, v7;
	v5 =	vld [tilespmem:s29+$0x4380]  }
0x11b: {  	[tilespmem:s29+$0x11080] =	vst v1;
	v1 =	vadd.f32 v6, v7;
	v6 =	vadd.f32 v9, v7  }
0x11c: {  	v9 =	vadd.f32 v10, v7;
	[tilespmem:s29+$0x11100] =	vst v2;
	v2 =	vadd.f32 v8, v7  }
0x11d: {  	v10 =	vadd.f32 v11, v7;
	v11 =	vadd.f32 v12, v7;
	[tilespmem:s29+$0x11180] =	vst v3  }
0x11e: {  	s30 =	sadd.s32 $0x10, s30;
	v12 =	vadd.f32 v13, v7;
	v13 =	vadd.f32 v14, v7;
	[tilespmem:s29+$0x11200] =	vst v0  }
0x11f: {  	s2 =	sand.u32 $0x3C00, s31;
	s0 =	sand.u32 $0x70, s30;
	v8 =	vadd.f32 v15, v7;
	[tilespmem:s29+$0x11280] =	vst v4;
	v7 =	vadd.f32 v5, v7  }
0x120: {  	s3 =	sor.u32 s0, s2;
	[tilespmem:s29+$0x11300] =	vst v1  }
0x121: {  	v0 =	vld [tilespmem:s3+$0x0];
	[tilespmem:s29+$0x11380] =	vst v6  }
0x122: {  	v1 =	vld [tilespmem:s3+$0x80];
	[tilespmem:s29+$0x15000] =	vst v2  }
.Ltmp6:
0x123: {  	v2 =	vld [tilespmem:s3+$0x100];
	[tilespmem:s29+$0x15080] =	vst v9;
	(pc) =	sbr.rel @p0 .LBB2_9-.Ltmp6, $4  }
0x124: {  	v3 =	vld [tilespmem:s3+$0x180];
	[tilespmem:s29+$0x15100] =	vst v10  }
0x125: {  	v4 =	vld [tilespmem:s3+$0x200];
	[tilespmem:s29+$0x15180] =	vst v11  }
0x126: {  	v5 =	vld [tilespmem:s3+$0x280];
	[tilespmem:s29+$0x15200] =	vst v12  }
0x127: {  	s31 =	sadd.s32 $0x80, s31;
	v6 =	vld [tilespmem:s3+$0x300];
	[tilespmem:s29+$0x15280] =	vst v13  }
0x128: {  	v9 =	vld [tilespmem:s3+$0x380];
	[tilespmem:s29+$0x15300] =	vst v8;
	s2 =	sshrl.u32 s2, $0x2  }
0x129: {  	v8 =	vld [tilespmem:s3+$0x4000];
	s0 =	sor.u32 s0, s2;
	[tilespmem:s29+$0x15380] =	vst v7  }
0x12a: {  	v7 =	vld [tilespmem:s0+$0x8080];
	_ =	sdelay $0x4  }
0x12b: {  	v0 =	vadd.f32 v0, v7  }
0x12c: {  	v1 =	vadd.f32 v1, v7  }
0x12d: {  	v51 =	vadd.f32 v2, v7;
	[tilespmem:s3+$0x11000] =	vst v0  }
0x12e: {  	v3 =	vadd.f32 v3, v7;
	[tilespmem:s3+$0x11080] =	vst v1  }
0x12f: {  	v10 =	vld [tilespmem:s3+$0x4080];
	v53 =	vadd.f32 v4, v7;
	[tilespmem:s3+$0x11100] =	vst v51  }
0x130: {  	v11 =	vld [tilespmem:s3+$0x4100];
	v54 =	vadd.f32 v5, v7;
	[tilespmem:s3+$0x11180] =	vst v3  }
0x131: {  	v12 =	vld [tilespmem:s3+$0x4180];
	v55 =	vadd.f32 v6, v7;
	[tilespmem:s3+$0x11200] =	vst v53  }
0x132: {  	v13 =	vld [tilespmem:s3+$0x4200];
	v56 =	vadd.f32 v9, v7;
	[tilespmem:s3+$0x11280] =	vst v54  }
0x133: {  	v14 =	vld [tilespmem:s3+$0x4280];
	v57 =	vadd.f32 v8, v7;
	[tilespmem:s3+$0x11300] =	vst v55  }
0x134: {  	v15 =	vld [tilespmem:s3+$0x4300];
	v58 =	vadd.f32 v10, v7;
	[tilespmem:s3+$0x11380] =	vst v56  }
0x135: {  	v52 =	vld [tilespmem:s3+$0x4380];
	v59 =	vadd.f32 v11, v7;
	[tilespmem:s3+$0x15000] =	vst v57  }
0x136: {  	v60 =	vadd.f32 v12, v7;
	[tilespmem:s3+$0x15080] =	vst v58  }
0x137: {  	v61 =	vadd.f32 v13, v7;
	[tilespmem:s3+$0x15100] =	vst v59  }
0x138: {  	p0 =	seq.s32 s25, $0x1F;
	v62 =	vadd.f32 v14, v7;
	[tilespmem:s3+$0x15180] =	vst v60  }
.Ltmp7:
0x139: {  	v63 =	vadd.f32 v15, v7;
	[tilespmem:s3+$0x15200] =	vst v61;
	(pc) =	sbr.rel @p0 .LBB2_12-.Ltmp7, $4  }
0x13a: {  	v2 =	vadd.f32 v52, v7;
	[tilespmem:s3+$0x15280] =	vst v62  }
0x13b: {  	[tilespmem:s3+$0x15300] =	vst v63  }
0x13c: {  	s31 =	sadd.s32 s28, s8;
	[tilespmem:s3+$0x15380] =	vst v2  }
0x13d: {  	[hbm4b:s31+s4] =	stream.linear.scatter [tilespmem:s24], [sflag:$0x5], $0x8000, $0x38;
	[tilespmem:$0x19000] =	vst v63  }
0x13e: {  	s0 =	sadd.s32 $0x3, s26  }
0x13f: {  	s2 =	sshll.u32 s0, $0x4  }
0x140: {  	s0 =	sshll.u32 s0, $0x8;
	s2 =	sand.u32 $0x70, s2  }
0x141: {  	s0 =	sand.u32 $0x7800, s0;
	s2 =	sadd.s32 s1, s2  }
0x142: {  	s28 =	simm.s32 $0x8080;
	s0 =	sadd.s32 s0, s2  }
0x143: {  	[tilespmem:s28], [sflag:$0x3] =	stream.linear.gather [hbm4b:s0+s4], $0x80, $0x38;
	[tilespmem:$0x19000] =	vst v63  }
0x144: {  	s3 =	simm.s32 $0x8180;
	s29 =	sadd.s32 $0x80, s0  }
0x145: {  	[tilespmem:s3], [sflag:$0x3] =	stream.linear.gather [hbm4b:s29+s4], $0x80, $0x38;
	[tilespmem:$0x19000] =	vst v63  }
0x146: {  	s31 =	simm.s32 $0x8280;
	s30 =	sadd.s32 $0x100, s0  }
0x147: {  	[tilespmem:s31], [sflag:$0x3] =	stream.linear.gather [hbm4b:s30+s4], $0x80, $0x38;
	[tilespmem:$0x19000] =	vst v63  }
0x148: {  	s3 =	sadd.s32 $0x180, s0  }
0x149: {  	[tilespmem:s6], [sflag:$0x3] =	stream.linear.gather [hbm4b:s3+s4], $0x80, $0x38;
	[tilespmem:$0x19000] =	vst v63  }
0x14a: {  	s26 =	sadd.s32 $0x200, s0  }
0x14b: {  	[tilespmem:s7], [sflag:$0x3] =	stream.linear.gather [hbm4b:s26+s4], $0x80, $0x38;
	[tilespmem:$0x19000] =	vst v63  }
0x14c: {  	s28 =	sadd.s32 $0x280, s0  }
0x14d: {  	[tilespmem:s9], [sflag:$0x3] =	stream.linear.gather [hbm4b:s28+s4], $0x80, $0x38;
	[tilespmem:$0x19000] =	vst v63  }
0x14e: {  	s29 =	sadd.s32 $0x300, s0  }
0x14f: {  	[tilespmem:s10], [sflag:$0x3] =	stream.linear.gather [hbm4b:s29+s4], $0x80, $0x38;
	[tilespmem:$0x19000] =	vst v63  }
0x150: {  	s30 =	sadd.s32 $0x380, s0  }
0x151: {  	[tilespmem:s11], [sflag:$0x3] =	stream.linear.gather [hbm4b:s30+s4], $0x80, $0x38;
	[tilespmem:$0x19000] =	vst v63  }
0x152: {  	s31 =	sadd.s32 $0x400, s0  }
0x153: {  	[tilespmem:s12], [sflag:$0x3] =	stream.linear.gather [hbm4b:s31+s4], $0x80, $0x38;
	[tilespmem:$0x19000] =	vst v63  }
0x154: {  	s3 =	sadd.s32 $0x480, s0  }
0x155: {  	[tilespmem:s13], [sflag:$0x3] =	stream.linear.gather [hbm4b:s3+s4], $0x80, $0x38;
	[tilespmem:$0x19000] =	vst v63  }
0x156: {  	s26 =	sadd.s32 $0x500, s0  }
0x157: {  	[tilespmem:s14], [sflag:$0x3] =	stream.linear.gather [hbm4b:s26+s4], $0x80, $0x38;
	[tilespmem:$0x19000] =	vst v63  }
0x158: {  	s28 =	sadd.s32 $0x580, s0  }
0x159: {  	[tilespmem:s15], [sflag:$0x3] =	stream.linear.gather [hbm4b:s28+s4], $0x80, $0x38;
	[tilespmem:$0x19000] =	vst v63  }
0x15a: {  	s29 =	sadd.s32 $0x600, s0  }
0x15b: {  	[tilespmem:s16], [sflag:$0x3] =	stream.linear.gather [hbm4b:s29+s4], $0x80, $0x38;
	[tilespmem:$0x19000] =	vst v63  }
0x15c: {  	s30 =	sadd.s32 $0x680, s0  }
0x15d: {  	[tilespmem:s17], [sflag:$0x3] =	stream.linear.gather [hbm4b:s30+s4], $0x80, $0x38;
	[tilespmem:$0x19000] =	vst v63  }
.Ltmp8:
0x15e: {  	_ = 	snop;
	(pc) =	sbr.rel .LBB2_2-.Ltmp8, $4  }
0x15f: {  	s31 =	sadd.s32 $0x700, s0  }
0x160: {  	[tilespmem:s18], [sflag:$0x3] =	stream.linear.gather [hbm4b:s31+s4], $0x80, $0x38;
	[tilespmem:$0x19000] =	vst v63  }
0x161: {  	s25 =	sadd.s32 $0x1, s25;
	s0 =	sadd.s32 $0x780, s0  }
0x162: {  	[tilespmem:s19], [sflag:$0x3] =	stream.linear.gather [hbm4b:s0+s4], $0x80, $0x38;
	[tilespmem:$0x19000] =	vst v63  }
.LBB2_13:
0x163: {  	_ =	sfence.sel $0x180000  }
0x164: {  	[bflag:$0x0] =	sbarrier.arrive $0xFFFF  }
0x165: {  	_ =	strace $0x90000047  }
0x166: {  	s0 =	stileid.u32;
	[bflag:$0x2] =	sbarrier.arrive $0xFFFF  }
0x167: {  	p0 =	sne.s32 s0, $0x0;
	s0 =	rddreg [dreg:$0x3]  }
0x168: {  	s0 =	sadd.s32 @!p0 $0x100000, s0  }
0x169: {  	[sflag:s0] =	ssyncadd.tile.s32 @!p0 $0x1;
	_ =	shalt  }
.Lfunc_end2:
_tile_overlayer_lowered:
.L_overlay_start_2:
0x16a: {  	(tag) =	ssettag $0x2  }
0x16b: {  	s0 =	rddreg [dreg:$0x0];
	s2 =	stileid.u32  }
0x16c: {  	s1 =	rddreg [dreg:$0x1];
	p0 =	sne.s32 s2, $0x0  }
0x16d: {  	s3 =	rddreg [dreg:$0x2];
	[bflag:$0x3] =	sbarrier.arrive $0xFFFF;
	s2 =	simm.s32 @!p0 $0x1C06  }
0x16e: {  	[timem:s3], [sflag:s2] =	dma.local @!p0 [hbm:s0], s1  }
0x16f: {  	s0 =	simm.s32 @!p0 $0x6  }
0x170: {  	_ =	swait.ge @!p0 [sflag:s0], s1  }
0x171: {  	s1 =	ssub.s32 @!p0 $0x0, s1;
	[sflag:s0] =	ssyncset.done @!p0 $0x0  }
0x172: {  	[sflag:s0] =	ssyncadd.s32 @!p0 s1  }
0x173: {  	[bflag:$0x3] =	sbarrier.arrive $0xFFFF  }
0x174: {  	_ =	shalt  }

</sc_bundles>
